<compile_context>
chip_gen: v7x
topology: tpu7x:2x2x1
jax: 0.10.2.dev20260603
libtpu: 0.0.44.dev20260713+nightly
codegen_flags: <defaults>
</compile_context>

<pallas_src>
import jax
import jax.numpy as jnp
from jax import lax
from jax.experimental import pallas as pl
from jax.experimental.pallas import tpu as pltpu
from jax.experimental.pallas import tpu_sc as plsc

_ROWS, _COLS = 1024, 128
_L = 16
_NC, _NS = 2, 16
_NW = _NC * _NS
_RPW = 16
_SC_ROWS = _NW * _RPW
_WVALS = _RPW * _COLS
_JU, _KU = 8, 4
_TC_BLK = 64


def _sc_pair_loss(yp_hbm, yt_hbm, loss_hbm, pairs_hbm,
                  ypv, ytv, av, nbv, lossv, pairsv):
    wid = lax.axis_index("s") * _NC + lax.axis_index("c")
    pltpu.sync_copy(yp_hbm.at[pl.ds(wid * _WVALS, _WVALS)], ypv)
    pltpu.sync_copy(yt_hbm.at[pl.ds(wid * _WVALS, _WVALS)], ytv)

    zeros = jnp.zeros((_L,), jnp.float32)
    row_off = lax.iota(jnp.int32, _L) * _COLS

    def prep(j, carry):
        pc, nc = carry
        idx = row_off + j
        y = plsc.load_gather(ypv, [idx])
        t = plsc.load_gather(ytv, [idx])
        is_pos = t == 1
        is_neg = t == 0
        av[pl.ds(j * _L, _L)] = jnp.where(is_pos, y, jnp.inf)
        nbv[pl.ds(j * _L, _L)] = jnp.where(is_neg, y + 1.0, -jnp.inf)
        pc = pc + jnp.where(is_pos, 1.0, 0.0)
        nc = nc + jnp.where(is_neg, 1.0, 0.0)
        return pc, nc

    pos_cnt, neg_cnt = lax.fori_loop(0, _COLS, prep, (zeros, zeros))

    def jbody(jg, accs_in):
        a = [av[pl.ds((jg * _JU + u) * _L, _L)] for u in range(_JU)]

        def kbody(kg, accs2):
            accs2 = list(accs2)
            for v in range(_KU):
                nb = nbv[pl.ds((kg * _KU + v) * _L, _L)]
                for u in range(_JU):
                    accs2[u] = accs2[u] + jnp.maximum(nb - a[u], 0.0)
            return tuple(accs2)

        return lax.fori_loop(0, _COLS // _KU, kbody, accs_in)

    accs = lax.fori_loop(0, _COLS // _JU, jbody, (zeros,) * _JU)

    loss_vec = accs[0]
    for u in range(1, _JU):
        loss_vec = loss_vec + accs[u]

    lossv[...] = loss_vec
    pairsv[...] = pos_cnt * neg_cnt
    pltpu.sync_copy(lossv, loss_hbm.at[pl.ds(wid * _L, _L)])
    pltpu.sync_copy(pairsv, pairs_hbm.at[pl.ds(wid * _L, _L)])


_sc_call = pl.kernel(
    _sc_pair_loss,
    out_type=(
        jax.ShapeDtypeStruct((_NW * _L,), jnp.float32),
        jax.ShapeDtypeStruct((_NW * _L,), jnp.float32),
    ),
    mesh=plsc.VectorSubcoreMesh(core_axis_name="c", subcore_axis_name="s"),
    scratch_types=[
        pltpu.VMEM((_WVALS,), jnp.float32),
        pltpu.VMEM((_WVALS,), jnp.int32),
        pltpu.VMEM((_WVALS,), jnp.float32),
        pltpu.VMEM((_WVALS,), jnp.float32),
        pltpu.VMEM((_L,), jnp.float32),
        pltpu.VMEM((_L,), jnp.float32),
    ],
    compiler_params=pltpu.CompilerParams(needs_layout_passes=False),
)


def _tc_pair_kernel(yp_ref, yt_ref, loss_ref, pairs_ref):
    y = yp_ref[...]
    t = yt_ref[...]
    is_pos = t == 1
    is_neg = t == 0
    a = jnp.where(is_pos, y, jnp.inf)
    nb = jnp.where(is_neg, y + 1.0, -jnp.inf)

    _NACC = 4
    accs = [jnp.zeros((_TC_BLK, _COLS), jnp.float32) for _ in range(_NACC)]
    for j in range(_COLS):
        accs[j % _NACC] = accs[j % _NACC] + jnp.maximum(nb - a[:, j:j + 1],
                                                        0.0)
    tot = accs[0]
    for c in range(1, _NACC):
        tot = tot + accs[c]
    blk_loss = jnp.sum(tot)

    pos_cnt = jnp.sum(is_pos.astype(jnp.float32), axis=1)
    neg_cnt = jnp.sum(is_neg.astype(jnp.float32), axis=1)
    blk_pairs = jnp.sum(pos_cnt * neg_cnt)

    loss_ref[0, 0, 0] = blk_loss
    pairs_ref[0, 0, 0] = blk_pairs


_tc_blocks = (_ROWS - _SC_ROWS) // _TC_BLK
_tc_call = pl.pallas_call(
    _tc_pair_kernel,
    grid=(_tc_blocks,),
    in_specs=[
        pl.BlockSpec((_TC_BLK, _COLS), lambda b: (_SC_ROWS // _TC_BLK + b, 0)),
        pl.BlockSpec((_TC_BLK, _COLS), lambda b: (_SC_ROWS // _TC_BLK + b, 0)),
    ],
    out_specs=[
        pl.BlockSpec((1, 1, 1), lambda b: (b, 0, 0), memory_space=pltpu.SMEM),
        pl.BlockSpec((1, 1, 1), lambda b: (b, 0, 0), memory_space=pltpu.SMEM),
    ],
    out_shape=[
        jax.ShapeDtypeStruct((_tc_blocks, 1, 1), jnp.float32),
        jax.ShapeDtypeStruct((_tc_blocks, 1, 1), jnp.float32),
    ],
    compiler_params=pltpu.CompilerParams(
        dimension_semantics=("parallel",),
    ),
)


def _finalize(l_ref, p_ref, tl_ref, tp_ref, o_ref):
    s = jnp.sum(l_ref[...])
    t = jnp.sum(p_ref[...])
    for i in range(_tc_blocks):
        s = s + tl_ref[i, 0, 0]
        t = t + tp_ref[i, 0, 0]
    o_ref[0, 0] = jnp.where(t > 0.0, s / t, s)


_fin_call = pl.pallas_call(
    _finalize,
    in_specs=[
        pl.BlockSpec(memory_space=pltpu.VMEM),
        pl.BlockSpec(memory_space=pltpu.VMEM),
        pl.BlockSpec(memory_space=pltpu.SMEM),
        pl.BlockSpec(memory_space=pltpu.SMEM),
    ],
    out_shape=jax.ShapeDtypeStruct((1, 1), jnp.float32),
    out_specs=pl.BlockSpec(memory_space=pltpu.SMEM),
)


@jax.jit
def kernel(y_pred, y_true):
    yt32 = y_true.astype(jnp.int32)
    sc_loss, sc_pairs = _sc_call(y_pred.reshape(-1), yt32.reshape(-1))
    tc_loss, tc_pairs = _tc_call(y_pred, yt32)
    out = _fin_call(sc_loss.reshape(4, _COLS), sc_pairs.reshape(4, _COLS),
                    tc_loss, tc_pairs)
    return out[0, 0]

# --- scband reference (transcript-rebuilt; emitter-appended) ---
"""Pipeline reference for scband-pairwise-ranking-loss-88072599372258 (READ-ONLY COPY).

The authoritative reference and input builder live on the scoring server;
editing this copy changes nothing except your own understanding.
"""

import jax, jax.numpy as jnp
import numpy as np


def setup_inputs(seed: int = 0) -> dict:
    key = jax.random.key(seed)
    k1, k2 = jax.random.split(key)
    y_pred = jax.random.normal(k1, (1024, 128), dtype=jnp.float32)
    y_true = jax.random.randint(k2, (1024, 128), 0, 2, dtype=jnp.int64)
    return {"y_pred": y_pred, "y_true": y_true}


def reference(y_pred, y_true):
    # Faithful vectorization of the nested-loop pairwise hinge ranking loss:
    # for each row i, for each (pos, neg) pair: relu(1 - y_pred[i,pos] + y_pred[i,neg])
    pos_mask = (y_true == 1)
    neg_mask = (y_true == 0)
    # pair_mask[i, p, n] = pos_mask[i, p] & neg_mask[i, n]
    pair_mask = pos_mask[:, :, None] & neg_mask[:, None, :]
    # diff[i, p, n] = 1 - y_pred[i, p] + y_pred[i, n]
    diff = 1.0 - y_pred[:, :, None] + y_pred[:, None, :]
    hinge = jnp.maximum(diff, 0.0)
    loss = jnp.sum(jnp.where(pair_mask, hinge, 0.0))
    num_pairs = jnp.sum(pair_mask)
    loss = jnp.where(num_pairs > 0, loss / num_pairs.astype(loss.dtype), loss)
    return loss

if __name__ == "__main__":
    import jax
    _d = setup_inputs()
    print(jax.jit(kernel)(*tuple(_d.values())))

</pallas_src>

<mosaic_0001>
#map = affine_map<(d0, d1) -> (0)>
module attributes {stable_mosaic.version = 14 : i64} {
  func.func @_sc_pair_loss(%arg0: i32, %arg1: i32, %arg2: memref<131072xf32, #tpu.memory_space<hbm>>, %arg3: memref<131072xi32, #tpu.memory_space<hbm>>, %arg4: memref<512xf32, #tpu.memory_space<hbm>>, %arg5: memref<512xf32, #tpu.memory_space<hbm>>, %arg6: memref<2048xf32, #tpu.memory_space<vmem>>, %arg7: memref<2048xi32, #tpu.memory_space<vmem>>, %arg8: memref<2048xf32, #tpu.memory_space<vmem>>, %arg9: memref<2048xf32, #tpu.memory_space<vmem>>, %arg10: memref<16xf32, #tpu.memory_space<vmem>>, %arg11: memref<16xf32, #tpu.memory_space<vmem>>) attributes {dimension_semantics = [#tpu.dimension_semantics<core_parallel>, #tpu.dimension_semantics<subcore_parallel>], iteration_bounds = array<i64: 2, 16>, scalar_prefetch = 0 : i64, scratch_operands = 6 : i64, tpu.core_type = #tpu.core_type<sc_vector_subcore>, window_params = [{transform_indices = #map}, {transform_indices = #map}, {transform_indices = #map}, {transform_indices = #map}]} {
    %mul3A = arith.constant 2 : i32
    %mul3A_0 = arith.muli %arg1, %mul3A : i32
    %add3A = arith.addi %mul3A_0, %arg0 : i32
    %mul3A_1 = arith.constant 2048 : i32
    %mul3A_2 = arith.muli %add3A, %mul3A_1 : i32
    "tpu.region"() ({
      %run_scoped3A = tpu.sem_alloc : memref<!tpu.dma_semaphore, #tpu.memory_space<semaphore_mem>>
      %dma_start3A = tpu.memref_slice %arg2[%mul3A_2] : memref<131072xf32, #tpu.memory_space<hbm>> -> memref<2048xf32, #tpu.memory_space<hbm>>
      %dma_start3A_35 = tpu.memref_slice %arg2[%mul3A_2] : memref<131072xf32, #tpu.memory_space<hbm>> -> memref<2048xf32, #tpu.memory_space<hbm>>
      tpu.enqueue_dma source(%dma_start3A_35 : memref<2048xf32, #tpu.memory_space<hbm>>) target(%arg6 : memref<2048xf32, #tpu.memory_space<vmem>>) target_semaphore(%run_scoped3A : memref<!tpu.dma_semaphore, #tpu.memory_space<semaphore_mem>>)
      %dma_wait3A = tpu.memref_slice %arg2[%mul3A_2] : memref<131072xf32, #tpu.memory_space<hbm>> -> memref<2048xf32, #tpu.memory_space<hbm>>
      %dma_wait3A_36 = tpu.memref_slice %arg2[%mul3A_2] : memref<131072xf32, #tpu.memory_space<hbm>> -> memref<2048xf32, #tpu.memory_space<hbm>>
      tpu.wait_dma2 semaphore(%run_scoped3A : memref<!tpu.dma_semaphore, #tpu.memory_space<semaphore_mem>>) src(%dma_wait3A_36 : memref<2048xf32, #tpu.memory_space<hbm>>) dst(%arg6 : memref<2048xf32, #tpu.memory_space<vmem>>)
      tpu.yield
    }) : () -> ()
    %mul3A_3 = arith.constant 2048 : i32
    %mul3A_4 = arith.muli %add3A, %mul3A_3 : i32
    "tpu.region"() ({
      %run_scoped3A = tpu.sem_alloc : memref<!tpu.dma_semaphore, #tpu.memory_space<semaphore_mem>>
      %dma_start3A = tpu.memref_slice %arg3[%mul3A_4] : memref<131072xi32, #tpu.memory_space<hbm>> -> memref<2048xi32, #tpu.memory_space<hbm>>
      %dma_start3A_35 = tpu.memref_slice %arg3[%mul3A_4] : memref<131072xi32, #tpu.memory_space<hbm>> -> memref<2048xi32, #tpu.memory_space<hbm>>
      tpu.enqueue_dma source(%dma_start3A_35 : memref<2048xi32, #tpu.memory_space<hbm>>) target(%arg7 : memref<2048xi32, #tpu.memory_space<vmem>>) target_semaphore(%run_scoped3A : memref<!tpu.dma_semaphore, #tpu.memory_space<semaphore_mem>>)
      %dma_wait3A = tpu.memref_slice %arg3[%mul3A_4] : memref<131072xi32, #tpu.memory_space<hbm>> -> memref<2048xi32, #tpu.memory_space<hbm>>
      %dma_wait3A_36 = tpu.memref_slice %arg3[%mul3A_4] : memref<131072xi32, #tpu.memory_space<hbm>> -> memref<2048xi32, #tpu.memory_space<hbm>>
      tpu.wait_dma2 semaphore(%run_scoped3A : memref<!tpu.dma_semaphore, #tpu.memory_space<semaphore_mem>>) src(%dma_wait3A_36 : memref<2048xi32, #tpu.memory_space<hbm>>) dst(%arg7 : memref<2048xi32, #tpu.memory_space<vmem>>)
      tpu.yield
    }) : () -> ()
    %broadcast_in_dim3A = arith.constant 0.000000e+00 : f32
    %broadcast_in_dim3A_5 = vector.broadcast %broadcast_in_dim3A : f32 to vector<16xf32>
    %iota3A = tpu.iota {dimensions = array<i32: 0>} : vector<16xi32>
    %mul3A_6 = arith.constant 128 : i32
    %mul3A_7 = vector.broadcast %mul3A_6 : i32 to vector<16xi32>
    %mul3A_8 = arith.muli %iota3A, %mul3A_7 : vector<16xi32>
    %scan3A = arith.constant 0 : i32
    %scan3A_9 = arith.constant 128 : i32
    %scan3A_10 = arith.addi %scan3A, %scan3A_9 : i32
    %scan3A_11 = arith.constant 1 : i32
    %scan3A_12:2 = scf.for %scan3A_35 = %scan3A to %scan3A_10 step %scan3A_11 iter_args(%scan3A_36 = %broadcast_in_dim3A_5, %scan3A_37 = %broadcast_in_dim3A_5) -> (vector<16xf32>, vector<16xf32>)  : i32 {
      %add3A_38 = vector.broadcast %scan3A_35 : i32 to vector<16xi32>
      %add3A_39 = arith.addi %mul3A_8, %add3A_38 : vector<16xi32>
      %gather3A = tpu.vector_load_idx %arg6[%add3A_39] : memref<2048xf32, #tpu.memory_space<vmem>>[vector<16xi32>], vector<16xf32>,
      %gather3A_40 = tpu.vector_load_idx %arg7[%add3A_39] : memref<2048xi32, #tpu.memory_space<vmem>>[vector<16xi32>], vector<16xi32>,
      %eq3A = arith.constant 1 : i32
      %eq3A_41 = vector.broadcast %eq3A : i32 to vector<16xi32>
      %eq3A_42 = arith.cmpi eq, %gather3A_40, %eq3A_41 : vector<16xi32>
      %eq3A_43 = arith.constant 0 : i32
      %eq3A_44 = vector.broadcast %eq3A_43 : i32 to vector<16xi32>
      %eq3A_45 = arith.cmpi eq, %gather3A_40, %eq3A_44 : vector<16xi32>
      %jit3A = arith.constant 0x7F800000 : f32
      %broadcast_in_dim3A_46 = vector.broadcast %jit3A : f32 to vector<16xf32>
      %select_n3A = arith.select %eq3A_42, %gather3A, %broadcast_in_dim3A_46 : vector<16xi1>, vector<16xf32>
      %mul3A_47 = arith.constant 16 : i32
      %mul3A_48 = arith.muli %scan3A_35, %mul3A_47 : i32
      %swap3A_49 = arith.index_cast %mul3A_48 : i32 to index
      %swap3A_50 = tpu.vector_load %arg8[%swap3A_49] {strides = array<i32>} : memref<2048xf32, #tpu.memory_space<vmem>>, vector<16xf32>,
      tpu.vector_store %arg8[%swap3A_49], %select_n3A {strides = array<i32>} : memref<2048xf32, #tpu.memory_space<vmem>>, vector<16xf32>,
      %add3A_51 = arith.constant 1.000000e+00 : f32
      %add3A_52 = vector.broadcast %add3A_51 : f32 to vector<16xf32>
      %add3A_53 = arith.addf %gather3A, %add3A_52 : vector<16xf32>
      %jit3A_54 = arith.constant 0xFF800000 : f32
      %broadcast_in_dim3A_55 = vector.broadcast %jit3A_54 : f32 to vector<16xf32>
      %select_n3A_56 = arith.select %eq3A_45, %add3A_53, %broadcast_in_dim3A_55 : vector<16xi1>, vector<16xf32>
      %mul3A_57 = arith.constant 16 : i32
      %mul3A_58 = arith.muli %scan3A_35, %mul3A_57 : i32
      %swap3A_59 = arith.index_cast %mul3A_58 : i32 to index
      %swap3A_60 = tpu.vector_load %arg9[%swap3A_59] {strides = array<i32>} : memref<2048xf32, #tpu.memory_space<vmem>>, vector<16xf32>,
      tpu.vector_store %arg9[%swap3A_59], %select_n3A_56 {strides = array<i32>} : memref<2048xf32, #tpu.memory_space<vmem>>, vector<16xf32>,
      %jit3A_61 = arith.constant 1.000000e+00 : f32
      %jit3A_62 = arith.constant 0.000000e+00 : f32
      %broadcast_in_dim3A_63 = vector.broadcast %jit3A_61 : f32 to vector<16xf32>
      %broadcast_in_dim3A_64 = vector.broadcast %jit3A_62 : f32 to vector<16xf32>
      %select_n3A_65 = arith.select %eq3A_42, %broadcast_in_dim3A_63, %broadcast_in_dim3A_64 : vector<16xi1>, vector<16xf32>
      %add3A_66 = arith.addf %scan3A_36, %select_n3A_65 : vector<16xf32>
      %jit3A_67 = arith.constant 1.000000e+00 : f32
      %jit3A_68 = arith.constant 0.000000e+00 : f32
      %broadcast_in_dim3A_69 = vector.broadcast %jit3A_67 : f32 to vector<16xf32>
      %broadcast_in_dim3A_70 = vector.broadcast %jit3A_68 : f32 to vector<16xf32>
      %select_n3A_71 = arith.select %eq3A_45, %broadcast_in_dim3A_69, %broadcast_in_dim3A_70 : vector<16xi1>, vector<16xf32>
      %add3A_72 = arith.addf %scan3A_37, %select_n3A_71 : vector<16xf32>
      scf.yield %add3A_66, %add3A_72 : vector<16xf32>, vector<16xf32>
    }
    %scan3A_13 = arith.constant 128 : i32
    %scan3A_14 = arith.constant 0 : i32
    %scan3A_15 = arith.constant 16 : i32
    %scan3A_16 = arith.addi %scan3A_14, %scan3A_15 : i32
    %scan3A_17 = arith.constant 1 : i32
    %scan3A_18:8 = scf.for %scan3A_35 = %scan3A_14 to %scan3A_16 step %scan3A_17 iter_args(%scan3A_36 = %broadcast_in_dim3A_5, %scan3A_37 = %broadcast_in_dim3A_5, %scan3A_38 = %broadcast_in_dim3A_5, %scan3A_39 = %broadcast_in_dim3A_5, %scan3A_40 = %broadcast_in_dim3A_5, %scan3A_41 = %broadcast_in_dim3A_5, %scan3A_42 = %broadcast_in_dim3A_5, %scan3A_43 = %broadcast_in_dim3A_5) -> (vector<16xf32>, vector<16xf32>, vector<16xf32>, vector<16xf32>, vector<16xf32>, vector<16xf32>, vector<16xf32>, vector<16xf32>)  : i32 {
      %mul3A_44 = arith.constant 8 : i32
      %mul3A_45 = arith.muli %scan3A_35, %mul3A_44 : i32
      %add3A_46 = arith.constant 0 : i32
      %add3A_47 = arith.addi %mul3A_45, %add3A_46 : i32
      %mul3A_48 = arith.constant 16 : i32
      %mul3A_49 = arith.muli %add3A_47, %mul3A_48 : i32
      %get3A = arith.index_cast %mul3A_49 : i32 to index
      %get3A_50 = tpu.vector_load %arg8[%get3A] {strides = array<i32>} : memref<2048xf32, #tpu.memory_space<vmem>>, vector<16xf32>,
      %mul3A_51 = arith.constant 8 : i32
      %mul3A_52 = arith.muli %scan3A_35, %mul3A_51 : i32
      %add3A_53 = arith.constant 1 : i32
      %add3A_54 = arith.addi %mul3A_52, %add3A_53 : i32
      %mul3A_55 = arith.constant 16 : i32
      %mul3A_56 = arith.muli %add3A_54, %mul3A_55 : i32
      %get3A_57 = arith.index_cast %mul3A_56 : i32 to index
      %get3A_58 = tpu.vector_load %arg8[%get3A_57] {strides = array<i32>} : memref<2048xf32, #tpu.memory_space<vmem>>, vector<16xf32>,
      %mul3A_59 = arith.constant 8 : i32
      %mul3A_60 = arith.muli %scan3A_35, %mul3A_59 : i32
      %add3A_61 = arith.constant 2 : i32
      %add3A_62 = arith.addi %mul3A_60, %add3A_61 : i32
      %mul3A_63 = arith.constant 16 : i32
      %mul3A_64 = arith.muli %add3A_62, %mul3A_63 : i32
      %get3A_65 = arith.index_cast %mul3A_64 : i32 to index
      %get3A_66 = tpu.vector_load %arg8[%get3A_65] {strides = array<i32>} : memref<2048xf32, #tpu.memory_space<vmem>>, vector<16xf32>,
      %mul3A_67 = arith.constant 8 : i32
      %mul3A_68 = arith.muli %scan3A_35, %mul3A_67 : i32
      %add3A_69 = arith.constant 3 : i32
      %add3A_70 = arith.addi %mul3A_68, %add3A_69 : i32
      %mul3A_71 = arith.constant 16 : i32
      %mul3A_72 = arith.muli %add3A_70, %mul3A_71 : i32
      %get3A_73 = arith.index_cast %mul3A_72 : i32 to index
      %get3A_74 = tpu.vector_load %arg8[%get3A_73] {strides = array<i32>} : memref<2048xf32, #tpu.memory_space<vmem>>, vector<16xf32>,
      %mul3A_75 = arith.constant 8 : i32
      %mul3A_76 = arith.muli %scan3A_35, %mul3A_75 : i32
      %add3A_77 = arith.constant 4 : i32
      %add3A_78 = arith.addi %mul3A_76, %add3A_77 : i32
      %mul3A_79 = arith.constant 16 : i32
      %mul3A_80 = arith.muli %add3A_78, %mul3A_79 : i32
      %get3A_81 = arith.index_cast %mul3A_80 : i32 to index
      %get3A_82 = tpu.vector_load %arg8[%get3A_81] {strides = array<i32>} : memref<2048xf32, #tpu.memory_space<vmem>>, vector<16xf32>,
      %mul3A_83 = arith.constant 8 : i32
      %mul3A_84 = arith.muli %scan3A_35, %mul3A_83 : i32
      %add3A_85 = arith.constant 5 : i32
      %add3A_86 = arith.addi %mul3A_84, %add3A_85 : i32
      %mul3A_87 = arith.constant 16 : i32
      %mul3A_88 = arith.muli %add3A_86, %mul3A_87 : i32
      %get3A_89 = arith.index_cast %mul3A_88 : i32 to index
      %get3A_90 = tpu.vector_load %arg8[%get3A_89] {strides = array<i32>} : memref<2048xf32, #tpu.memory_space<vmem>>, vector<16xf32>,
      %mul3A_91 = arith.constant 8 : i32
      %mul3A_92 = arith.muli %scan3A_35, %mul3A_91 : i32
      %add3A_93 = arith.constant 6 : i32
      %add3A_94 = arith.addi %mul3A_92, %add3A_93 : i32
      %mul3A_95 = arith.constant 16 : i32
      %mul3A_96 = arith.muli %add3A_94, %mul3A_95 : i32
      %get3A_97 = arith.index_cast %mul3A_96 : i32 to index
      %get3A_98 = tpu.vector_load %arg8[%get3A_97] {strides = array<i32>} : memref<2048xf32, #tpu.memory_space<vmem>>, vector<16xf32>,
      %mul3A_99 = arith.constant 8 : i32
      %mul3A_100 = arith.muli %scan3A_35, %mul3A_99 : i32
      %add3A_101 = arith.constant 7 : i32
      %add3A_102 = arith.addi %mul3A_100, %add3A_101 : i32
      %mul3A_103 = arith.constant 16 : i32
      %mul3A_104 = arith.muli %add3A_102, %mul3A_103 : i32
      %get3A_105 = arith.index_cast %mul3A_104 : i32 to index
      %get3A_106 = tpu.vector_load %arg8[%get3A_105] {strides = array<i32>} : memref<2048xf32, #tpu.memory_space<vmem>>, vector<16xf32>,
      %scan3A_107 = arith.constant 0 : i32
      %scan3A_108 = arith.constant 32 : i32
      %scan3A_109 = arith.addi %scan3A_107, %scan3A_108 : i32
      %scan3A_110 = arith.constant 1 : i32
      %scan3A_111:8 = scf.for %scan3A_113 = %scan3A_107 to %scan3A_109 step %scan3A_110 iter_args(%scan3A_114 = %scan3A_36, %scan3A_115 = %scan3A_37, %scan3A_116 = %scan3A_38, %scan3A_117 = %scan3A_39, %scan3A_118 = %scan3A_40, %scan3A_119 = %scan3A_41, %scan3A_120 = %scan3A_42, %scan3A_121 = %scan3A_43) -> (vector<16xf32>, vector<16xf32>, vector<16xf32>, vector<16xf32>, vector<16xf32>, vector<16xf32>, vector<16xf32>, vector<16xf32>)  : i32 {
        %mul3A_122 = arith.constant 4 : i32
        %mul3A_123 = arith.muli %scan3A_113, %mul3A_122 : i32
        %add3A_124 = arith.constant 0 : i32
        %add3A_125 = arith.addi %mul3A_123, %add3A_124 : i32
        %mul3A_126 = arith.constant 16 : i32
        %mul3A_127 = arith.muli %add3A_125, %mul3A_126 : i32
        %get3A_128 = arith.index_cast %mul3A_127 : i32 to index
        %get3A_129 = tpu.vector_load %arg9[%get3A_128] {strides = array<i32>} : memref<2048xf32, #tpu.memory_space<vmem>>, vector<16xf32>,
        %sub3A = arith.subf %get3A_129, %get3A_50 : vector<16xf32>
        %max3A = arith.constant 0.000000e+00 : f32
        %max3A_130 = vector.broadcast %max3A : f32 to vector<16xf32>
        %max3A_131 = arith.maximumf %sub3A, %max3A_130 : vector<16xf32>
        %add3A_132 = arith.addf %scan3A_114, %max3A_131 : vector<16xf32>
        %sub3A_133 = arith.subf %get3A_129, %get3A_58 : vector<16xf32>
        %max3A_134 = arith.constant 0.000000e+00 : f32
        %max3A_135 = vector.broadcast %max3A_134 : f32 to vector<16xf32>
        %max3A_136 = arith.maximumf %sub3A_133, %max3A_135 : vector<16xf32>
        %add3A_137 = arith.addf %scan3A_115, %max3A_136 : vector<16xf32>
        %sub3A_138 = arith.subf %get3A_129, %get3A_66 : vector<16xf32>
        %max3A_139 = arith.constant 0.000000e+00 : f32
        %max3A_140 = vector.broadcast %max3A_139 : f32 to vector<16xf32>
        %max3A_141 = arith.maximumf %sub3A_138, %max3A_140 : vector<16xf32>
        %add3A_142 = arith.addf %scan3A_116, %max3A_141 : vector<16xf32>
        %sub3A_143 = arith.subf %get3A_129, %get3A_74 : vector<16xf32>
        %max3A_144 = arith.constant 0.000000e+00 : f32
        %max3A_145 = vector.broadcast %max3A_144 : f32 to vector<16xf32>
        %max3A_146 = arith.maximumf %sub3A_143, %max3A_145 : vector<16xf32>
        %add3A_147 = arith.addf %scan3A_117, %max3A_146 : vector<16xf32>
        %sub3A_148 = arith.subf %get3A_129, %get3A_82 : vector<16xf32>
        %max3A_149 = arith.constant 0.000000e+00 : f32
        %max3A_150 = vector.broadcast %max3A_149 : f32 to vector<16xf32>
        %max3A_151 = arith.maximumf %sub3A_148, %max3A_150 : vector<16xf32>
        %add3A_152 = arith.addf %scan3A_118, %max3A_151 : vector<16xf32>
        %sub3A_153 = arith.subf %get3A_129, %get3A_90 : vector<16xf32>
        %max3A_154 = arith.constant 0.000000e+00 : f32
        %max3A_155 = vector.broadcast %max3A_154 : f32 to vector<16xf32>
        %max3A_156 = arith.maximumf %sub3A_153, %max3A_155 : vector<16xf32>
        %add3A_157 = arith.addf %scan3A_119, %max3A_156 : vector<16xf32>
        %sub3A_158 = arith.subf %get3A_129, %get3A_98 : vector<16xf32>
        %max3A_159 = arith.constant 0.000000e+00 : f32
        %max3A_160 = vector.broadcast %max3A_159 : f32 to vector<16xf32>
        %max3A_161 = arith.maximumf %sub3A_158, %max3A_160 : vector<16xf32>
        %add3A_162 = arith.addf %scan3A_120, %max3A_161 : vector<16xf32>
        %sub3A_163 = arith.subf %get3A_129, %get3A_106 : vector<16xf32>
        %max3A_164 = arith.constant 0.000000e+00 : f32
        %max3A_165 = vector.broadcast %max3A_164 : f32 to vector<16xf32>
        %max3A_166 = arith.maximumf %sub3A_163, %max3A_165 : vector<16xf32>
        %add3A_167 = arith.addf %scan3A_121, %max3A_166 : vector<16xf32>
        %mul3A_168 = arith.constant 4 : i32
        %mul3A_169 = arith.muli %scan3A_113, %mul3A_168 : i32
        %add3A_170 = arith.constant 1 : i32
        %add3A_171 = arith.addi %mul3A_169, %add3A_170 : i32
        %mul3A_172 = arith.constant 16 : i32
        %mul3A_173 = arith.muli %add3A_171, %mul3A_172 : i32
        %get3A_174 = arith.index_cast %mul3A_173 : i32 to index
        %get3A_175 = tpu.vector_load %arg9[%get3A_174] {strides = array<i32>} : memref<2048xf32, #tpu.memory_space<vmem>>, vector<16xf32>,
        %sub3A_176 = arith.subf %get3A_175, %get3A_50 : vector<16xf32>
        %max3A_177 = arith.constant 0.000000e+00 : f32
        %max3A_178 = vector.broadcast %max3A_177 : f32 to vector<16xf32>
        %max3A_179 = arith.maximumf %sub3A_176, %max3A_178 : vector<16xf32>
        %add3A_180 = arith.addf %add3A_132, %max3A_179 : vector<16xf32>
        %sub3A_181 = arith.subf %get3A_175, %get3A_58 : vector<16xf32>
        %max3A_182 = arith.constant 0.000000e+00 : f32
        %max3A_183 = vector.broadcast %max3A_182 : f32 to vector<16xf32>
        %max3A_184 = arith.maximumf %sub3A_181, %max3A_183 : vector<16xf32>
        %add3A_185 = arith.addf %add3A_137, %max3A_184 : vector<16xf32>
        %sub3A_186 = arith.subf %get3A_175, %get3A_66 : vector<16xf32>
        %max3A_187 = arith.constant 0.000000e+00 : f32
        %max3A_188 = vector.broadcast %max3A_187 : f32 to vector<16xf32>
        %max3A_189 = arith.maximumf %sub3A_186, %max3A_188 : vector<16xf32>
        %add3A_190 = arith.addf %add3A_142, %max3A_189 : vector<16xf32>
        %sub3A_191 = arith.subf %get3A_175, %get3A_74 : vector<16xf32>
        %max3A_192 = arith.constant 0.000000e+00 : f32
        %max3A_193 = vector.broadcast %max3A_192 : f32 to vector<16xf32>
        %max3A_194 = arith.maximumf %sub3A_191, %max3A_193 : vector<16xf32>
        %add3A_195 = arith.addf %add3A_147, %max3A_194 : vector<16xf32>
        %sub3A_196 = arith.subf %get3A_175, %get3A_82 : vector<16xf32>
        %max3A_197 = arith.constant 0.000000e+00 : f32
        %max3A_198 = vector.broadcast %max3A_197 : f32 to vector<16xf32>
        %max3A_199 = arith.maximumf %sub3A_196, %max3A_198 : vector<16xf32>
        %add3A_200 = arith.addf %add3A_152, %max3A_199 : vector<16xf32>
        %sub3A_201 = arith.subf %get3A_175, %get3A_90 : vector<16xf32>
        %max3A_202 = arith.constant 0.000000e+00 : f32
        %max3A_203 = vector.broadcast %max3A_202 : f32 to vector<16xf32>
        %max3A_204 = arith.maximumf %sub3A_201, %max3A_203 : vector<16xf32>
        %add3A_205 = arith.addf %add3A_157, %max3A_204 : vector<16xf32>
        %sub3A_206 = arith.subf %get3A_175, %get3A_98 : vector<16xf32>
        %max3A_207 = arith.constant 0.000000e+00 : f32
        %max3A_208 = vector.broadcast %max3A_207 : f32 to vector<16xf32>
        %max3A_209 = arith.maximumf %sub3A_206, %max3A_208 : vector<16xf32>
        %add3A_210 = arith.addf %add3A_162, %max3A_209 : vector<16xf32>
        %sub3A_211 = arith.subf %get3A_175, %get3A_106 : vector<16xf32>
        %max3A_212 = arith.constant 0.000000e+00 : f32
        %max3A_213 = vector.broadcast %max3A_212 : f32 to vector<16xf32>
        %max3A_214 = arith.maximumf %sub3A_211, %max3A_213 : vector<16xf32>
        %add3A_215 = arith.addf %add3A_167, %max3A_214 : vector<16xf32>
        %mul3A_216 = arith.constant 4 : i32
        %mul3A_217 = arith.muli %scan3A_113, %mul3A_216 : i32
        %add3A_218 = arith.constant 2 : i32
        %add3A_219 = arith.addi %mul3A_217, %add3A_218 : i32
        %mul3A_220 = arith.constant 16 : i32
        %mul3A_221 = arith.muli %add3A_219, %mul3A_220 : i32
        %get3A_222 = arith.index_cast %mul3A_221 : i32 to index
        %get3A_223 = tpu.vector_load %arg9[%get3A_222] {strides = array<i32>} : memref<2048xf32, #tpu.memory_space<vmem>>, vector<16xf32>,
        %sub3A_224 = arith.subf %get3A_223, %get3A_50 : vector<16xf32>
        %max3A_225 = arith.constant 0.000000e+00 : f32
        %max3A_226 = vector.broadcast %max3A_225 : f32 to vector<16xf32>
        %max3A_227 = arith.maximumf %sub3A_224, %max3A_226 : vector<16xf32>
        %add3A_228 = arith.addf %add3A_180, %max3A_227 : vector<16xf32>
        %sub3A_229 = arith.subf %get3A_223, %get3A_58 : vector<16xf32>
        %max3A_230 = arith.constant 0.000000e+00 : f32
        %max3A_231 = vector.broadcast %max3A_230 : f32 to vector<16xf32>
        %max3A_232 = arith.maximumf %sub3A_229, %max3A_231 : vector<16xf32>
        %add3A_233 = arith.addf %add3A_185, %max3A_232 : vector<16xf32>
        %sub3A_234 = arith.subf %get3A_223, %get3A_66 : vector<16xf32>
        %max3A_235 = arith.constant 0.000000e+00 : f32
        %max3A_236 = vector.broadcast %max3A_235 : f32 to vector<16xf32>
        %max3A_237 = arith.maximumf %sub3A_234, %max3A_236 : vector<16xf32>
        %add3A_238 = arith.addf %add3A_190, %max3A_237 : vector<16xf32>
        %sub3A_239 = arith.subf %get3A_223, %get3A_74 : vector<16xf32>
        %max3A_240 = arith.constant 0.000000e+00 : f32
        %max3A_241 = vector.broadcast %max3A_240 : f32 to vector<16xf32>
        %max3A_242 = arith.maximumf %sub3A_239, %max3A_241 : vector<16xf32>
        %add3A_243 = arith.addf %add3A_195, %max3A_242 : vector<16xf32>
        %sub3A_244 = arith.subf %get3A_223, %get3A_82 : vector<16xf32>
        %max3A_245 = arith.constant 0.000000e+00 : f32
        %max3A_246 = vector.broadcast %max3A_245 : f32 to vector<16xf32>
        %max3A_247 = arith.maximumf %sub3A_244, %max3A_246 : vector<16xf32>
        %add3A_248 = arith.addf %add3A_200, %max3A_247 : vector<16xf32>
        %sub3A_249 = arith.subf %get3A_223, %get3A_90 : vector<16xf32>
        %max3A_250 = arith.constant 0.000000e+00 : f32
        %max3A_251 = vector.broadcast %max3A_250 : f32 to vector<16xf32>
        %max3A_252 = arith.maximumf %sub3A_249, %max3A_251 : vector<16xf32>
        %add3A_253 = arith.addf %add3A_205, %max3A_252 : vector<16xf32>
        %sub3A_254 = arith.subf %get3A_223, %get3A_98 : vector<16xf32>
        %max3A_255 = arith.constant 0.000000e+00 : f32
        %max3A_256 = vector.broadcast %max3A_255 : f32 to vector<16xf32>
        %max3A_257 = arith.maximumf %sub3A_254, %max3A_256 : vector<16xf32>
        %add3A_258 = arith.addf %add3A_210, %max3A_257 : vector<16xf32>
        %sub3A_259 = arith.subf %get3A_223, %get3A_106 : vector<16xf32>
        %max3A_260 = arith.constant 0.000000e+00 : f32
        %max3A_261 = vector.broadcast %max3A_260 : f32 to vector<16xf32>
        %max3A_262 = arith.maximumf %sub3A_259, %max3A_261 : vector<16xf32>
        %add3A_263 = arith.addf %add3A_215, %max3A_262 : vector<16xf32>
        %mul3A_264 = arith.constant 4 : i32
        %mul3A_265 = arith.muli %scan3A_113, %mul3A_264 : i32
        %add3A_266 = arith.constant 3 : i32
        %add3A_267 = arith.addi %mul3A_265, %add3A_266 : i32
        %mul3A_268 = arith.constant 16 : i32
        %mul3A_269 = arith.muli %add3A_267, %mul3A_268 : i32
        %get3A_270 = arith.index_cast %mul3A_269 : i32 to index
        %get3A_271 = tpu.vector_load %arg9[%get3A_270] {strides = array<i32>} : memref<2048xf32, #tpu.memory_space<vmem>>, vector<16xf32>,
        %sub3A_272 = arith.subf %get3A_271, %get3A_50 : vector<16xf32>
        %max3A_273 = arith.constant 0.000000e+00 : f32
        %max3A_274 = vector.broadcast %max3A_273 : f32 to vector<16xf32>
        %max3A_275 = arith.maximumf %sub3A_272, %max3A_274 : vector<16xf32>
        %add3A_276 = arith.addf %add3A_228, %max3A_275 : vector<16xf32>
        %sub3A_277 = arith.subf %get3A_271, %get3A_58 : vector<16xf32>
        %max3A_278 = arith.constant 0.000000e+00 : f32
        %max3A_279 = vector.broadcast %max3A_278 : f32 to vector<16xf32>
        %max3A_280 = arith.maximumf %sub3A_277, %max3A_279 : vector<16xf32>
        %add3A_281 = arith.addf %add3A_233, %max3A_280 : vector<16xf32>
        %sub3A_282 = arith.subf %get3A_271, %get3A_66 : vector<16xf32>
        %max3A_283 = arith.constant 0.000000e+00 : f32
        %max3A_284 = vector.broadcast %max3A_283 : f32 to vector<16xf32>
        %max3A_285 = arith.maximumf %sub3A_282, %max3A_284 : vector<16xf32>
        %add3A_286 = arith.addf %add3A_238, %max3A_285 : vector<16xf32>
        %sub3A_287 = arith.subf %get3A_271, %get3A_74 : vector<16xf32>
        %max3A_288 = arith.constant 0.000000e+00 : f32
        %max3A_289 = vector.broadcast %max3A_288 : f32 to vector<16xf32>
        %max3A_290 = arith.maximumf %sub3A_287, %max3A_289 : vector<16xf32>
        %add3A_291 = arith.addf %add3A_243, %max3A_290 : vector<16xf32>
        %sub3A_292 = arith.subf %get3A_271, %get3A_82 : vector<16xf32>
        %max3A_293 = arith.constant 0.000000e+00 : f32
        %max3A_294 = vector.broadcast %max3A_293 : f32 to vector<16xf32>
        %max3A_295 = arith.maximumf %sub3A_292, %max3A_294 : vector<16xf32>
        %add3A_296 = arith.addf %add3A_248, %max3A_295 : vector<16xf32>
        %sub3A_297 = arith.subf %get3A_271, %get3A_90 : vector<16xf32>
        %max3A_298 = arith.constant 0.000000e+00 : f32
        %max3A_299 = vector.broadcast %max3A_298 : f32 to vector<16xf32>
        %max3A_300 = arith.maximumf %sub3A_297, %max3A_299 : vector<16xf32>
        %add3A_301 = arith.addf %add3A_253, %max3A_300 : vector<16xf32>
        %sub3A_302 = arith.subf %get3A_271, %get3A_98 : vector<16xf32>
        %max3A_303 = arith.constant 0.000000e+00 : f32
        %max3A_304 = vector.broadcast %max3A_303 : f32 to vector<16xf32>
        %max3A_305 = arith.maximumf %sub3A_302, %max3A_304 : vector<16xf32>
        %add3A_306 = arith.addf %add3A_258, %max3A_305 : vector<16xf32>
        %sub3A_307 = arith.subf %get3A_271, %get3A_106 : vector<16xf32>
        %max3A_308 = arith.constant 0.000000e+00 : f32
        %max3A_309 = vector.broadcast %max3A_308 : f32 to vector<16xf32>
        %max3A_310 = arith.maximumf %sub3A_307, %max3A_309 : vector<16xf32>
        %add3A_311 = arith.addf %add3A_263, %max3A_310 : vector<16xf32>
        scf.yield %add3A_276, %add3A_281, %add3A_286, %add3A_291, %add3A_296, %add3A_301, %add3A_306, %add3A_311 : vector<16xf32>, vector<16xf32>, vector<16xf32>, vector<16xf32>, vector<16xf32>, vector<16xf32>, vector<16xf32>, vector<16xf32>
      }
      %scan3A_112 = arith.constant 32 : i32
      scf.yield %scan3A_111#0, %scan3A_111#1, %scan3A_111#2, %scan3A_111#3, %scan3A_111#4, %scan3A_111#5, %scan3A_111#6, %scan3A_111#7 : vector<16xf32>, vector<16xf32>, vector<16xf32>, vector<16xf32>, vector<16xf32>, vector<16xf32>, vector<16xf32>, vector<16xf32>
    }
    %scan3A_19 = arith.constant 16 : i32
    %add3A_20 = arith.addf %scan3A_18#0, %scan3A_18#1 : vector<16xf32>
    %add3A_21 = arith.addf %add3A_20, %scan3A_18#2 : vector<16xf32>
    %add3A_22 = arith.addf %add3A_21, %scan3A_18#3 : vector<16xf32>
    %add3A_23 = arith.addf %add3A_22, %scan3A_18#4 : vector<16xf32>
    %add3A_24 = arith.addf %add3A_23, %scan3A_18#5 : vector<16xf32>
    %add3A_25 = arith.addf %add3A_24, %scan3A_18#6 : vector<16xf32>
    %add3A_26 = arith.addf %add3A_25, %scan3A_18#7 : vector<16xf32>
    %swap3A = arith.constant 0 : index
    %swap3A_27 = tpu.vector_load %arg10[%swap3A] {strides = array<i32>} : memref<16xf32, #tpu.memory_space<vmem>>, vector<16xf32>,
    tpu.vector_store %arg10[%swap3A], %add3A_26 {strides = array<i32>} : memref<16xf32, #tpu.memory_space<vmem>>, vector<16xf32>,
    %mul3A_28 = arith.mulf %scan3A_12#0, %scan3A_12#1 : vector<16xf32>
    %swap3A_29 = arith.constant 0 : index
    %swap3A_30 = tpu.vector_load %arg11[%swap3A_29] {strides = array<i32>} : memref<16xf32, #tpu.memory_space<vmem>>, vector<16xf32>,
    tpu.vector_store %arg11[%swap3A_29], %mul3A_28 {strides = array<i32>} : memref<16xf32, #tpu.memory_space<vmem>>, vector<16xf32>,
    %mul3A_31 = arith.constant 16 : i32
    %mul3A_32 = arith.muli %add3A, %mul3A_31 : i32
    "tpu.region"() ({
      %run_scoped3A = tpu.sem_alloc : memref<!tpu.dma_semaphore, #tpu.memory_space<semaphore_mem>>
      %dma_start3A = tpu.memref_slice %arg4[%mul3A_32] : memref<512xf32, #tpu.memory_space<hbm>> -> memref<16xf32, #tpu.memory_space<hbm>>
      %dma_start3A_35 = tpu.memref_slice %arg4[%mul3A_32] : memref<512xf32, #tpu.memory_space<hbm>> -> memref<16xf32, #tpu.memory_space<hbm>>
      tpu.enqueue_dma source(%arg10 : memref<16xf32, #tpu.memory_space<vmem>>) target(%dma_start3A_35 : memref<16xf32, #tpu.memory_space<hbm>>) target_semaphore(%run_scoped3A : memref<!tpu.dma_semaphore, #tpu.memory_space<semaphore_mem>>)
      %dma_wait3A = tpu.memref_slice %arg4[%mul3A_32] : memref<512xf32, #tpu.memory_space<hbm>> -> memref<16xf32, #tpu.memory_space<hbm>>
      %dma_wait3A_36 = tpu.memref_slice %arg4[%mul3A_32] : memref<512xf32, #tpu.memory_space<hbm>> -> memref<16xf32, #tpu.memory_space<hbm>>
      tpu.wait_dma2 semaphore(%run_scoped3A : memref<!tpu.dma_semaphore, #tpu.memory_space<semaphore_mem>>) src(%arg10 : memref<16xf32, #tpu.memory_space<vmem>>) dst(%dma_wait3A_36 : memref<16xf32, #tpu.memory_space<hbm>>)
      tpu.yield
    }) : () -> ()
    %mul3A_33 = arith.constant 16 : i32
    %mul3A_34 = arith.muli %add3A, %mul3A_33 : i32
    "tpu.region"() ({
      %run_scoped3A = tpu.sem_alloc : memref<!tpu.dma_semaphore, #tpu.memory_space<semaphore_mem>>
      %dma_start3A = tpu.memref_slice %arg5[%mul3A_34] : memref<512xf32, #tpu.memory_space<hbm>> -> memref<16xf32, #tpu.memory_space<hbm>>
      %dma_start3A_35 = tpu.memref_slice %arg5[%mul3A_34] : memref<512xf32, #tpu.memory_space<hbm>> -> memref<16xf32, #tpu.memory_space<hbm>>
      tpu.enqueue_dma source(%arg11 : memref<16xf32, #tpu.memory_space<vmem>>) target(%dma_start3A_35 : memref<16xf32, #tpu.memory_space<hbm>>) target_semaphore(%run_scoped3A : memref<!tpu.dma_semaphore, #tpu.memory_space<semaphore_mem>>)
      %dma_wait3A = tpu.memref_slice %arg5[%mul3A_34] : memref<512xf32, #tpu.memory_space<hbm>> -> memref<16xf32, #tpu.memory_space<hbm>>
      %dma_wait3A_36 = tpu.memref_slice %arg5[%mul3A_34] : memref<512xf32, #tpu.memory_space<hbm>> -> memref<16xf32, #tpu.memory_space<hbm>>
      tpu.wait_dma2 semaphore(%run_scoped3A : memref<!tpu.dma_semaphore, #tpu.memory_space<semaphore_mem>>) src(%arg11 : memref<16xf32, #tpu.memory_space<vmem>>) dst(%dma_wait3A_36 : memref<16xf32, #tpu.memory_space<hbm>>)
      tpu.yield
    }) : () -> ()
    return
  }
}

module attributes {stable_mosaic.version = 14 : i64} {
  func.func @_finalize(%arg0: memref<4x128xf32, #tpu.memory_space<vmem>>, %arg1: memref<4x128xf32, #tpu.memory_space<vmem>>, %arg2: memref<8x1x1xf32, #tpu.memory_space<smem>>, %arg3: memref<8x1x1xf32, #tpu.memory_space<smem>>, %arg4: memref<1x1xf32, #tpu.memory_space<smem>>) attributes {dimension_semantics = [], scalar_prefetch = 0 : i64, scratch_operands = 0 : i64, tpu.core_type = #tpu.core_type<tc>} {
    %get3A = arith.constant 0 : index
    %get3A_0 = arith.constant 0 : index
    %get3A_1 = vector.load %arg0[%get3A, %get3A_0] : memref<4x128xf32, #tpu.memory_space<vmem>>, vector<4x128xf32>
    %reduce_sum3A = vector.shape_cast %get3A_1 : vector<4x128xf32> to vector<1x4x128xf32>
    %reduce_sum3A_2 = arith.constant dense<0.000000e+00> : vector<1xf32>
    %reduce_sum3A_3 = vector.multi_reduction <add>, %reduce_sum3A, %reduce_sum3A_2 [1, 2] : vector<1x4x128xf32> to vector<1xf32>
    %reduce_sum3A_4 = vector.shape_cast %reduce_sum3A_3 : vector<1xf32> to vector<1x1x1xf32>
    %reduce_sum3A_5 = vector.extract %reduce_sum3A_4[0, 0, 0] : f32 from vector<1x1x1xf32>
    %get3A_6 = arith.constant 0 : index
    %get3A_7 = arith.constant 0 : index
    %get3A_8 = vector.load %arg1[%get3A_6, %get3A_7] : memref<4x128xf32, #tpu.memory_space<vmem>>, vector<4x128xf32>
    %reduce_sum3A_9 = vector.shape_cast %get3A_8 : vector<4x128xf32> to vector<1x4x128xf32>
    %reduce_sum3A_10 = arith.constant dense<0.000000e+00> : vector<1xf32>
    %reduce_sum3A_11 = vector.multi_reduction <add>, %reduce_sum3A_9, %reduce_sum3A_10 [1, 2] : vector<1x4x128xf32> to vector<1xf32>
    %reduce_sum3A_12 = vector.shape_cast %reduce_sum3A_11 : vector<1xf32> to vector<1x1x1xf32>
    %reduce_sum3A_13 = vector.extract %reduce_sum3A_12[0, 0, 0] : f32 from vector<1x1x1xf32>
    %get3A_14 = arith.constant 0 : index
    %get3A_15 = arith.constant 0 : index
    %get3A_16 = arith.constant 0 : index
    %get3A_17 = memref.load %arg2[%get3A_14, %get3A_15, %get3A_16] : memref<8x1x1xf32, #tpu.memory_space<smem>>
    %add3A = arith.addf %reduce_sum3A_5, %get3A_17 : f32
    %get3A_18 = arith.constant 0 : index
    %get3A_19 = arith.constant 0 : index
    %get3A_20 = arith.constant 0 : index
    %get3A_21 = memref.load %arg3[%get3A_18, %get3A_19, %get3A_20] : memref<8x1x1xf32, #tpu.memory_space<smem>>
    %add3A_22 = arith.addf %reduce_sum3A_13, %get3A_21 : f32
    %get3A_23 = arith.constant 1 : index
    %get3A_24 = arith.constant 0 : index
    %get3A_25 = arith.constant 0 : index
    %get3A_26 = memref.load %arg2[%get3A_23, %get3A_24, %get3A_25] : memref<8x1x1xf32, #tpu.memory_space<smem>>
    %add3A_27 = arith.addf %add3A, %get3A_26 : f32
    %get3A_28 = arith.constant 1 : index
    %get3A_29 = arith.constant 0 : index
    %get3A_30 = arith.constant 0 : index
    %get3A_31 = memref.load %arg3[%get3A_28, %get3A_29, %get3A_30] : memref<8x1x1xf32, #tpu.memory_space<smem>>
    %add3A_32 = arith.addf %add3A_22, %get3A_31 : f32
    %get3A_33 = arith.constant 2 : index
    %get3A_34 = arith.constant 0 : index
    %get3A_35 = arith.constant 0 : index
    %get3A_36 = memref.load %arg2[%get3A_33, %get3A_34, %get3A_35] : memref<8x1x1xf32, #tpu.memory_space<smem>>
    %add3A_37 = arith.addf %add3A_27, %get3A_36 : f32
    %get3A_38 = arith.constant 2 : index
    %get3A_39 = arith.constant 0 : index
    %get3A_40 = arith.constant 0 : index
    %get3A_41 = memref.load %arg3[%get3A_38, %get3A_39, %get3A_40] : memref<8x1x1xf32, #tpu.memory_space<smem>>
    %add3A_42 = arith.addf %add3A_32, %get3A_41 : f32
    %get3A_43 = arith.constant 3 : index
    %get3A_44 = arith.constant 0 : index
    %get3A_45 = arith.constant 0 : index
    %get3A_46 = memref.load %arg2[%get3A_43, %get3A_44, %get3A_45] : memref<8x1x1xf32, #tpu.memory_space<smem>>
    %add3A_47 = arith.addf %add3A_37, %get3A_46 : f32
    %get3A_48 = arith.constant 3 : index
    %get3A_49 = arith.constant 0 : index
    %get3A_50 = arith.constant 0 : index
    %get3A_51 = memref.load %arg3[%get3A_48, %get3A_49, %get3A_50] : memref<8x1x1xf32, #tpu.memory_space<smem>>
    %add3A_52 = arith.addf %add3A_42, %get3A_51 : f32
    %get3A_53 = arith.constant 4 : index
    %get3A_54 = arith.constant 0 : index
    %get3A_55 = arith.constant 0 : index
    %get3A_56 = memref.load %arg2[%get3A_53, %get3A_54, %get3A_55] : memref<8x1x1xf32, #tpu.memory_space<smem>>
    %add3A_57 = arith.addf %add3A_47, %get3A_56 : f32
    %get3A_58 = arith.constant 4 : index
    %get3A_59 = arith.constant 0 : index
    %get3A_60 = arith.constant 0 : index
    %get3A_61 = memref.load %arg3[%get3A_58, %get3A_59, %get3A_60] : memref<8x1x1xf32, #tpu.memory_space<smem>>
    %add3A_62 = arith.addf %add3A_52, %get3A_61 : f32
    %get3A_63 = arith.constant 5 : index
    %get3A_64 = arith.constant 0 : index
    %get3A_65 = arith.constant 0 : index
    %get3A_66 = memref.load %arg2[%get3A_63, %get3A_64, %get3A_65] : memref<8x1x1xf32, #tpu.memory_space<smem>>
    %add3A_67 = arith.addf %add3A_57, %get3A_66 : f32
    %get3A_68 = arith.constant 5 : index
    %get3A_69 = arith.constant 0 : index
    %get3A_70 = arith.constant 0 : index
    %get3A_71 = memref.load %arg3[%get3A_68, %get3A_69, %get3A_70] : memref<8x1x1xf32, #tpu.memory_space<smem>>
    %add3A_72 = arith.addf %add3A_62, %get3A_71 : f32
    %get3A_73 = arith.constant 6 : index
    %get3A_74 = arith.constant 0 : index
    %get3A_75 = arith.constant 0 : index
    %get3A_76 = memref.load %arg2[%get3A_73, %get3A_74, %get3A_75] : memref<8x1x1xf32, #tpu.memory_space<smem>>
    %add3A_77 = arith.addf %add3A_67, %get3A_76 : f32
    %get3A_78 = arith.constant 6 : index
    %get3A_79 = arith.constant 0 : index
    %get3A_80 = arith.constant 0 : index
    %get3A_81 = memref.load %arg3[%get3A_78, %get3A_79, %get3A_80] : memref<8x1x1xf32, #tpu.memory_space<smem>>
    %add3A_82 = arith.addf %add3A_72, %get3A_81 : f32
    %get3A_83 = arith.constant 7 : index
    %get3A_84 = arith.constant 0 : index
    %get3A_85 = arith.constant 0 : index
    %get3A_86 = memref.load %arg2[%get3A_83, %get3A_84, %get3A_85] : memref<8x1x1xf32, #tpu.memory_space<smem>>
    %add3A_87 = arith.addf %add3A_77, %get3A_86 : f32
    %get3A_88 = arith.constant 7 : index
    %get3A_89 = arith.constant 0 : index
    %get3A_90 = arith.constant 0 : index
    %get3A_91 = memref.load %arg3[%get3A_88, %get3A_89, %get3A_90] : memref<8x1x1xf32, #tpu.memory_space<smem>>
    %add3A_92 = arith.addf %add3A_82, %get3A_91 : f32
    %gt3A = arith.constant 0.000000e+00 : f32
    %gt3A_93 = arith.cmpf ogt, %add3A_92, %gt3A : f32
    %div3A = arith.divf %add3A_87, %add3A_92 : f32
    %select_n3A = arith.select %gt3A_93, %div3A, %add3A_87 : f32
    %swap3A = arith.constant 0 : index
    %swap3A_94 = arith.constant 0 : index
    %swap3A_95 = memref.load %arg4[%swap3A, %swap3A_94] : memref<1x1xf32, #tpu.memory_space<smem>>
    memref.store %select_n3A, %arg4[%swap3A, %swap3A_94] : memref<1x1xf32, #tpu.memory_space<smem>>
    return
  }
}

module attributes {stable_mosaic.version = 14 : i64} {
  func.func @_tc_pair_kernel(%arg0: i32, %arg1: memref<64x128xf32, #tpu.memory_space<vmem>>, %arg2: memref<64x128xi32, #tpu.memory_space<vmem>>, %arg3: memref<1x1x1xf32, #tpu.memory_space<smem>>, %arg4: memref<1x1x1xf32, #tpu.memory_space<smem>>) attributes {dimension_semantics = [#tpu.dimension_semantics<parallel>], iteration_bounds = array<i64: 8>, scalar_prefetch = 0 : i64, scratch_operands = 0 : i64, tpu.core_type = #tpu.core_type<tc>, window_params = [{transform_indices = @transform_0, window_bounds = array<i64: 64, 128>}, {transform_indices = @transform_1, window_bounds = array<i64: 64, 128>}, {transform_indices = @transform_2, window_bounds = array<i64: 1, 1, 1>}, {transform_indices = @transform_3, window_bounds = array<i64: 1, 1, 1>}]} {
    %get3A = arith.constant 0 : index
    %get3A_0 = arith.constant 0 : index
    %get3A_1 = vector.load %arg1[%get3A, %get3A_0] : memref<64x128xf32, #tpu.memory_space<vmem>>, vector<64x128xf32>
    %get3A_2 = arith.constant 0 : index
    %get3A_3 = arith.constant 0 : index
    %get3A_4 = vector.load %arg2[%get3A_2, %get3A_3] : memref<64x128xi32, #tpu.memory_space<vmem>>, vector<64x128xi32>
    %eq3A = arith.constant 1 : i32
    %eq3A_5 = vector.broadcast %eq3A : i32 to vector<64x128xi32>
    %eq3A_6 = arith.cmpi eq, %get3A_4, %eq3A_5 : vector<64x128xi32>
    %eq3A_7 = arith.constant 0 : i32
    %eq3A_8 = vector.broadcast %eq3A_7 : i32 to vector<64x128xi32>
    %eq3A_9 = arith.cmpi eq, %get3A_4, %eq3A_8 : vector<64x128xi32>
    %jit3A = arith.constant 0x7F800000 : f32
    %broadcast_in_dim3A = vector.broadcast %jit3A : f32 to vector<64x128xf32>
    %select_n3A = arith.select %eq3A_6, %get3A_1, %broadcast_in_dim3A : vector<64x128xi1>, vector<64x128xf32>
    %add3A = arith.constant 1.000000e+00 : f32
    %add3A_10 = vector.broadcast %add3A : f32 to vector<64x128xf32>
    %add3A_11 = arith.addf %get3A_1, %add3A_10 : vector<64x128xf32>
    %jit3A_12 = arith.constant 0xFF800000 : f32
    %broadcast_in_dim3A_13 = vector.broadcast %jit3A_12 : f32 to vector<64x128xf32>
    %select_n3A_14 = arith.select %eq3A_9, %add3A_11, %broadcast_in_dim3A_13 : vector<64x128xi1>, vector<64x128xf32>
    %broadcast_in_dim3A_15 = arith.constant 0.000000e+00 : f32
    %broadcast_in_dim3A_16 = vector.broadcast %broadcast_in_dim3A_15 : f32 to vector<64x128xf32>
    %broadcast_in_dim3A_17 = arith.constant 0.000000e+00 : f32
    %broadcast_in_dim3A_18 = vector.broadcast %broadcast_in_dim3A_17 : f32 to vector<64x128xf32>
    %broadcast_in_dim3A_19 = arith.constant 0.000000e+00 : f32
    %broadcast_in_dim3A_20 = vector.broadcast %broadcast_in_dim3A_19 : f32 to vector<64x128xf32>
    %broadcast_in_dim3A_21 = arith.constant 0.000000e+00 : f32
    %broadcast_in_dim3A_22 = vector.broadcast %broadcast_in_dim3A_21 : f32 to vector<64x128xf32>
    %slice3A = vector.extract_strided_slice %select_n3A {offsets = [0, 0], sizes = [64, 1], strides = [1, 1]} : vector<64x128xf32> to vector<64x1xf32>
    %sub3A = vector.broadcast %slice3A : vector<64x1xf32> to vector<64x128xf32>
    %sub3A_23 = arith.subf %select_n3A_14, %sub3A : vector<64x128xf32>
    %max3A = arith.constant 0.000000e+00 : f32
    %max3A_24 = vector.broadcast %max3A : f32 to vector<64x128xf32>
    %max3A_25 = arith.maximumf %sub3A_23, %max3A_24 : vector<64x128xf32>
    %add3A_26 = arith.addf %broadcast_in_dim3A_16, %max3A_25 : vector<64x128xf32>
    %slice3A_27 = vector.extract_strided_slice %select_n3A {offsets = [0, 1], sizes = [64, 1], strides = [1, 1]} : vector<64x128xf32> to vector<64x1xf32>
    %sub3A_28 = vector.broadcast %slice3A_27 : vector<64x1xf32> to vector<64x128xf32>
    %sub3A_29 = arith.subf %select_n3A_14, %sub3A_28 : vector<64x128xf32>
    %max3A_30 = arith.constant 0.000000e+00 : f32
    %max3A_31 = vector.broadcast %max3A_30 : f32 to vector<64x128xf32>
    %max3A_32 = arith.maximumf %sub3A_29, %max3A_31 : vector<64x128xf32>
    %add3A_33 = arith.addf %broadcast_in_dim3A_18, %max3A_32 : vector<64x128xf32>
    %slice3A_34 = vector.extract_strided_slice %select_n3A {offsets = [0, 2], sizes = [64, 1], strides = [1, 1]} : vector<64x128xf32> to vector<64x1xf32>
    %sub3A_35 = vector.broadcast %slice3A_34 : vector<64x1xf32> to vector<64x128xf32>
    %sub3A_36 = arith.subf %select_n3A_14, %sub3A_35 : vector<64x128xf32>
    %max3A_37 = arith.constant 0.000000e+00 : f32
    %max3A_38 = vector.broadcast %max3A_37 : f32 to vector<64x128xf32>
    %max3A_39 = arith.maximumf %sub3A_36, %max3A_38 : vector<64x128xf32>
    %add3A_40 = arith.addf %broadcast_in_dim3A_20, %max3A_39 : vector<64x128xf32>
    %slice3A_41 = vector.extract_strided_slice %select_n3A {offsets = [0, 3], sizes = [64, 1], strides = [1, 1]} : vector<64x128xf32> to vector<64x1xf32>
    %sub3A_42 = vector.broadcast %slice3A_41 : vector<64x1xf32> to vector<64x128xf32>
    %sub3A_43 = arith.subf %select_n3A_14, %sub3A_42 : vector<64x128xf32>
    %max3A_44 = arith.constant 0.000000e+00 : f32
    %max3A_45 = vector.broadcast %max3A_44 : f32 to vector<64x128xf32>
    %max3A_46 = arith.maximumf %sub3A_43, %max3A_45 : vector<64x128xf32>
    %add3A_47 = arith.addf %broadcast_in_dim3A_22, %max3A_46 : vector<64x128xf32>
    %slice3A_48 = vector.extract_strided_slice %select_n3A {offsets = [0, 4], sizes = [64, 1], strides = [1, 1]} : vector<64x128xf32> to vector<64x1xf32>
    %sub3A_49 = vector.broadcast %slice3A_48 : vector<64x1xf32> to vector<64x128xf32>
    %sub3A_50 = arith.subf %select_n3A_14, %sub3A_49 : vector<64x128xf32>
    %max3A_51 = arith.constant 0.000000e+00 : f32
    %max3A_52 = vector.broadcast %max3A_51 : f32 to vector<64x128xf32>
    %max3A_53 = arith.maximumf %sub3A_50, %max3A_52 : vector<64x128xf32>
    %add3A_54 = arith.addf %add3A_26, %max3A_53 : vector<64x128xf32>
    %slice3A_55 = vector.extract_strided_slice %select_n3A {offsets = [0, 5], sizes = [64, 1], strides = [1, 1]} : vector<64x128xf32> to vector<64x1xf32>
    %sub3A_56 = vector.broadcast %slice3A_55 : vector<64x1xf32> to vector<64x128xf32>
    %sub3A_57 = arith.subf %select_n3A_14, %sub3A_56 : vector<64x128xf32>
    %max3A_58 = arith.constant 0.000000e+00 : f32
    %max3A_59 = vector.broadcast %max3A_58 : f32 to vector<64x128xf32>
    %max3A_60 = arith.maximumf %sub3A_57, %max3A_59 : vector<64x128xf32>
    %add3A_61 = arith.addf %add3A_33, %max3A_60 : vector<64x128xf32>
    %slice3A_62 = vector.extract_strided_slice %select_n3A {offsets = [0, 6], sizes = [64, 1], strides = [1, 1]} : vector<64x128xf32> to vector<64x1xf32>
    %sub3A_63 = vector.broadcast %slice3A_62 : vector<64x1xf32> to vector<64x128xf32>
    %sub3A_64 = arith.subf %select_n3A_14, %sub3A_63 : vector<64x128xf32>
    %max3A_65 = arith.constant 0.000000e+00 : f32
    %max3A_66 = vector.broadcast %max3A_65 : f32 to vector<64x128xf32>
    %max3A_67 = arith.maximumf %sub3A_64, %max3A_66 : vector<64x128xf32>
    %add3A_68 = arith.addf %add3A_40, %max3A_67 : vector<64x128xf32>
    %slice3A_69 = vector.extract_strided_slice %select_n3A {offsets = [0, 7], sizes = [64, 1], strides = [1, 1]} : vector<64x128xf32> to vector<64x1xf32>
    %sub3A_70 = vector.broadcast %slice3A_69 : vector<64x1xf32> to vector<64x128xf32>
    %sub3A_71 = arith.subf %select_n3A_14, %sub3A_70 : vector<64x128xf32>
    %max3A_72 = arith.constant 0.000000e+00 : f32
    %max3A_73 = vector.broadcast %max3A_72 : f32 to vector<64x128xf32>
    %max3A_74 = arith.maximumf %sub3A_71, %max3A_73 : vector<64x128xf32>
    %add3A_75 = arith.addf %add3A_47, %max3A_74 : vector<64x128xf32>
    %slice3A_76 = vector.extract_strided_slice %select_n3A {offsets = [0, 8], sizes = [64, 1], strides = [1, 1]} : vector<64x128xf32> to vector<64x1xf32>
    %sub3A_77 = vector.broadcast %slice3A_76 : vector<64x1xf32> to vector<64x128xf32>
    %sub3A_78 = arith.subf %select_n3A_14, %sub3A_77 : vector<64x128xf32>
    %max3A_79 = arith.constant 0.000000e+00 : f32
    %max3A_80 = vector.broadcast %max3A_79 : f32 to vector<64x128xf32>
    %max3A_81 = arith.maximumf %sub3A_78, %max3A_80 : vector<64x128xf32>
    %add3A_82 = arith.addf %add3A_54, %max3A_81 : vector<64x128xf32>
    %slice3A_83 = vector.extract_strided_slice %select_n3A {offsets = [0, 9], sizes = [64, 1], strides = [1, 1]} : vector<64x128xf32> to vector<64x1xf32>
    %sub3A_84 = vector.broadcast %slice3A_83 : vector<64x1xf32> to vector<64x128xf32>
    %sub3A_85 = arith.subf %select_n3A_14, %sub3A_84 : vector<64x128xf32>
    %max3A_86 = arith.constant 0.000000e+00 : f32
    %max3A_87 = vector.broadcast %max3A_86 : f32 to vector<64x128xf32>
    %max3A_88 = arith.maximumf %sub3A_85, %max3A_87 : vector<64x128xf32>
    %add3A_89 = arith.addf %add3A_61, %max3A_88 : vector<64x128xf32>
    %slice3A_90 = vector.extract_strided_slice %select_n3A {offsets = [0, 10], sizes = [64, 1], strides = [1, 1]} : vector<64x128xf32> to vector<64x1xf32>
    %sub3A_91 = vector.broadcast %slice3A_90 : vector<64x1xf32> to vector<64x128xf32>
    %sub3A_92 = arith.subf %select_n3A_14, %sub3A_91 : vector<64x128xf32>
    %max3A_93 = arith.constant 0.000000e+00 : f32
    %max3A_94 = vector.broadcast %max3A_93 : f32 to vector<64x128xf32>
    %max3A_95 = arith.maximumf %sub3A_92, %max3A_94 : vector<64x128xf32>
    %add3A_96 = arith.addf %add3A_68, %max3A_95 : vector<64x128xf32>
    %slice3A_97 = vector.extract_strided_slice %select_n3A {offsets = [0, 11], sizes = [64, 1], strides = [1, 1]} : vector<64x128xf32> to vector<64x1xf32>
    %sub3A_98 = vector.broadcast %slice3A_97 : vector<64x1xf32> to vector<64x128xf32>
    %sub3A_99 = arith.subf %select_n3A_14, %sub3A_98 : vector<64x128xf32>
    %max3A_100 = arith.constant 0.000000e+00 : f32
    %max3A_101 = vector.broadcast %max3A_100 : f32 to vector<64x128xf32>
    %max3A_102 = arith.maximumf %sub3A_99, %max3A_101 : vector<64x128xf32>
    %add3A_103 = arith.addf %add3A_75, %max3A_102 : vector<64x128xf32>
    %slice3A_104 = vector.extract_strided_slice %select_n3A {offsets = [0, 12], sizes = [64, 1], strides = [1, 1]} : vector<64x128xf32> to vector<64x1xf32>
    %sub3A_105 = vector.broadcast %slice3A_104 : vector<64x1xf32> to vector<64x128xf32>
    %sub3A_106 = arith.subf %select_n3A_14, %sub3A_105 : vector<64x128xf32>
    %max3A_107 = arith.constant 0.000000e+00 : f32
    %max3A_108 = vector.broadcast %max3A_107 : f32 to vector<64x128xf32>
    %max3A_109 = arith.maximumf %sub3A_106, %max3A_108 : vector<64x128xf32>
    %add3A_110 = arith.addf %add3A_82, %max3A_109 : vector<64x128xf32>
    %slice3A_111 = vector.extract_strided_slice %select_n3A {offsets = [0, 13], sizes = [64, 1], strides = [1, 1]} : vector<64x128xf32> to vector<64x1xf32>
    %sub3A_112 = vector.broadcast %slice3A_111 : vector<64x1xf32> to vector<64x128xf32>
    %sub3A_113 = arith.subf %select_n3A_14, %sub3A_112 : vector<64x128xf32>
    %max3A_114 = arith.constant 0.000000e+00 : f32
    %max3A_115 = vector.broadcast %max3A_114 : f32 to vector<64x128xf32>
    %max3A_116 = arith.maximumf %sub3A_113, %max3A_115 : vector<64x128xf32>
    %add3A_117 = arith.addf %add3A_89, %max3A_116 : vector<64x128xf32>
    %slice3A_118 = vector.extract_strided_slice %select_n3A {offsets = [0, 14], sizes = [64, 1], strides = [1, 1]} : vector<64x128xf32> to vector<64x1xf32>
    %sub3A_119 = vector.broadcast %slice3A_118 : vector<64x1xf32> to vector<64x128xf32>
    %sub3A_120 = arith.subf %select_n3A_14, %sub3A_119 : vector<64x128xf32>
    %max3A_121 = arith.constant 0.000000e+00 : f32
    %max3A_122 = vector.broadcast %max3A_121 : f32 to vector<64x128xf32>
    %max3A_123 = arith.maximumf %sub3A_120, %max3A_122 : vector<64x128xf32>
    %add3A_124 = arith.addf %add3A_96, %max3A_123 : vector<64x128xf32>
    %slice3A_125 = vector.extract_strided_slice %select_n3A {offsets = [0, 15], sizes = [64, 1], strides = [1, 1]} : vector<64x128xf32> to vector<64x1xf32>
    %sub3A_126 = vector.broadcast %slice3A_125 : vector<64x1xf32> to vector<64x128xf32>
    %sub3A_127 = arith.subf %select_n3A_14, %sub3A_126 : vector<64x128xf32>
    %max3A_128 = arith.constant 0.000000e+00 : f32
    %max3A_129 = vector.broadcast %max3A_128 : f32 to vector<64x128xf32>
    %max3A_130 = arith.maximumf %sub3A_127, %max3A_129 : vector<64x128xf32>
    %add3A_131 = arith.addf %add3A_103, %max3A_130 : vector<64x128xf32>
    %slice3A_132 = vector.extract_strided_slice %select_n3A {offsets = [0, 16], sizes = [64, 1], strides = [1, 1]} : vector<64x128xf32> to vector<64x1xf32>
    %sub3A_133 = vector.broadcast %slice3A_132 : vector<64x1xf32> to vector<64x128xf32>
    %sub3A_134 = arith.subf %select_n3A_14, %sub3A_133 : vector<64x128xf32>
    %max3A_135 = arith.constant 0.000000e+00 : f32
    %max3A_136 = vector.broadcast %max3A_135 : f32 to vector<64x128xf32>
    %max3A_137 = arith.maximumf %sub3A_134, %max3A_136 : vector<64x128xf32>
    %add3A_138 = arith.addf %add3A_110, %max3A_137 : vector<64x128xf32>
    %slice3A_139 = vector.extract_strided_slice %select_n3A {offsets = [0, 17], sizes = [64, 1], strides = [1, 1]} : vector<64x128xf32> to vector<64x1xf32>
    %sub3A_140 = vector.broadcast %slice3A_139 : vector<64x1xf32> to vector<64x128xf32>
    %sub3A_141 = arith.subf %select_n3A_14, %sub3A_140 : vector<64x128xf32>
    %max3A_142 = arith.constant 0.000000e+00 : f32
    %max3A_143 = vector.broadcast %max3A_142 : f32 to vector<64x128xf32>
    %max3A_144 = arith.maximumf %sub3A_141, %max3A_143 : vector<64x128xf32>
    %add3A_145 = arith.addf %add3A_117, %max3A_144 : vector<64x128xf32>
    %slice3A_146 = vector.extract_strided_slice %select_n3A {offsets = [0, 18], sizes = [64, 1], strides = [1, 1]} : vector<64x128xf32> to vector<64x1xf32>
    %sub3A_147 = vector.broadcast %slice3A_146 : vector<64x1xf32> to vector<64x128xf32>
    %sub3A_148 = arith.subf %select_n3A_14, %sub3A_147 : vector<64x128xf32>
    %max3A_149 = arith.constant 0.000000e+00 : f32
    %max3A_150 = vector.broadcast %max3A_149 : f32 to vector<64x128xf32>
    %max3A_151 = arith.maximumf %sub3A_148, %max3A_150 : vector<64x128xf32>
    %add3A_152 = arith.addf %add3A_124, %max3A_151 : vector<64x128xf32>
    %slice3A_153 = vector.extract_strided_slice %select_n3A {offsets = [0, 19], sizes = [64, 1], strides = [1, 1]} : vector<64x128xf32> to vector<64x1xf32>
    %sub3A_154 = vector.broadcast %slice3A_153 : vector<64x1xf32> to vector<64x128xf32>
    %sub3A_155 = arith.subf %select_n3A_14, %sub3A_154 : vector<64x128xf32>
    %max3A_156 = arith.constant 0.000000e+00 : f32
    %max3A_157 = vector.broadcast %max3A_156 : f32 to vector<64x128xf32>
    %max3A_158 = arith.maximumf %sub3A_155, %max3A_157 : vector<64x128xf32>
    %add3A_159 = arith.addf %add3A_131, %max3A_158 : vector<64x128xf32>
    %slice3A_160 = vector.extract_strided_slice %select_n3A {offsets = [0, 20], sizes = [64, 1], strides = [1, 1]} : vector<64x128xf32> to vector<64x1xf32>
    %sub3A_161 = vector.broadcast %slice3A_160 : vector<64x1xf32> to vector<64x128xf32>
    %sub3A_162 = arith.subf %select_n3A_14, %sub3A_161 : vector<64x128xf32>
    %max3A_163 = arith.constant 0.000000e+00 : f32
    %max3A_164 = vector.broadcast %max3A_163 : f32 to vector<64x128xf32>
    %max3A_165 = arith.maximumf %sub3A_162, %max3A_164 : vector<64x128xf32>
    %add3A_166 = arith.addf %add3A_138, %max3A_165 : vector<64x128xf32>
    %slice3A_167 = vector.extract_strided_slice %select_n3A {offsets = [0, 21], sizes = [64, 1], strides = [1, 1]} : vector<64x128xf32> to vector<64x1xf32>
    %sub3A_168 = vector.broadcast %slice3A_167 : vector<64x1xf32> to vector<64x128xf32>
    %sub3A_169 = arith.subf %select_n3A_14, %sub3A_168 : vector<64x128xf32>
    %max3A_170 = arith.constant 0.000000e+00 : f32
    %max3A_171 = vector.broadcast %max3A_170 : f32 to vector<64x128xf32>
    %max3A_172 = arith.maximumf %sub3A_169, %max3A_171 : vector<64x128xf32>
    %add3A_173 = arith.addf %add3A_145, %max3A_172 : vector<64x128xf32>
    %slice3A_174 = vector.extract_strided_slice %select_n3A {offsets = [0, 22], sizes = [64, 1], strides = [1, 1]} : vector<64x128xf32> to vector<64x1xf32>
    %sub3A_175 = vector.broadcast %slice3A_174 : vector<64x1xf32> to vector<64x128xf32>
    %sub3A_176 = arith.subf %select_n3A_14, %sub3A_175 : vector<64x128xf32>
    %max3A_177 = arith.constant 0.000000e+00 : f32
    %max3A_178 = vector.broadcast %max3A_177 : f32 to vector<64x128xf32>
    %max3A_179 = arith.maximumf %sub3A_176, %max3A_178 : vector<64x128xf32>
    %add3A_180 = arith.addf %add3A_152, %max3A_179 : vector<64x128xf32>
    %slice3A_181 = vector.extract_strided_slice %select_n3A {offsets = [0, 23], sizes = [64, 1], strides = [1, 1]} : vector<64x128xf32> to vector<64x1xf32>
    %sub3A_182 = vector.broadcast %slice3A_181 : vector<64x1xf32> to vector<64x128xf32>
    %sub3A_183 = arith.subf %select_n3A_14, %sub3A_182 : vector<64x128xf32>
    %max3A_184 = arith.constant 0.000000e+00 : f32
    %max3A_185 = vector.broadcast %max3A_184 : f32 to vector<64x128xf32>
    %max3A_186 = arith.maximumf %sub3A_183, %max3A_185 : vector<64x128xf32>
    %add3A_187 = arith.addf %add3A_159, %max3A_186 : vector<64x128xf32>
    %slice3A_188 = vector.extract_strided_slice %select_n3A {offsets = [0, 24], sizes = [64, 1], strides = [1, 1]} : vector<64x128xf32> to vector<64x1xf32>
    %sub3A_189 = vector.broadcast %slice3A_188 : vector<64x1xf32> to vector<64x128xf32>
    %sub3A_190 = arith.subf %select_n3A_14, %sub3A_189 : vector<64x128xf32>
    %max3A_191 = arith.constant 0.000000e+00 : f32
    %max3A_192 = vector.broadcast %max3A_191 : f32 to vector<64x128xf32>
    %max3A_193 = arith.maximumf %sub3A_190, %max3A_192 : vector<64x128xf32>
    %add3A_194 = arith.addf %add3A_166, %max3A_193 : vector<64x128xf32>
    %slice3A_195 = vector.extract_strided_slice %select_n3A {offsets = [0, 25], sizes = [64, 1], strides = [1, 1]} : vector<64x128xf32> to vector<64x1xf32>
    %sub3A_196 = vector.broadcast %slice3A_195 : vector<64x1xf32> to vector<64x128xf32>
    %sub3A_197 = arith.subf %select_n3A_14, %sub3A_196 : vector<64x128xf32>
    %max3A_198 = arith.constant 0.000000e+00 : f32
    %max3A_199 = vector.broadcast %max3A_198 : f32 to vector<64x128xf32>
    %max3A_200 = arith.maximumf %sub3A_197, %max3A_199 : vector<64x128xf32>
    %add3A_201 = arith.addf %add3A_173, %max3A_200 : vector<64x128xf32>
    %slice3A_202 = vector.extract_strided_slice %select_n3A {offsets = [0, 26], sizes = [64, 1], strides = [1, 1]} : vector<64x128xf32> to vector<64x1xf32>
    %sub3A_203 = vector.broadcast %slice3A_202 : vector<64x1xf32> to vector<64x128xf32>
    %sub3A_204 = arith.subf %select_n3A_14, %sub3A_203 : vector<64x128xf32>
    %max3A_205 = arith.constant 0.000000e+00 : f32
    %max3A_206 = vector.broadcast %max3A_205 : f32 to vector<64x128xf32>
    %max3A_207 = arith.maximumf %sub3A_204, %max3A_206 : vector<64x128xf32>
    %add3A_208 = arith.addf %add3A_180, %max3A_207 : vector<64x128xf32>
    %slice3A_209 = vector.extract_strided_slice %select_n3A {offsets = [0, 27], sizes = [64, 1], strides = [1, 1]} : vector<64x128xf32> to vector<64x1xf32>
    %sub3A_210 = vector.broadcast %slice3A_209 : vector<64x1xf32> to vector<64x128xf32>
    %sub3A_211 = arith.subf %select_n3A_14, %sub3A_210 : vector<64x128xf32>
    %max3A_212 = arith.constant 0.000000e+00 : f32
    %max3A_213 = vector.broadcast %max3A_212 : f32 to vector<64x128xf32>
    %max3A_214 = arith.maximumf %sub3A_211, %max3A_213 : vector<64x128xf32>
    %add3A_215 = arith.addf %add3A_187, %max3A_214 : vector<64x128xf32>
    %slice3A_216 = vector.extract_strided_slice %select_n3A {offsets = [0, 28], sizes = [64, 1], strides = [1, 1]} : vector<64x128xf32> to vector<64x1xf32>
    %sub3A_217 = vector.broadcast %slice3A_216 : vector<64x1xf32> to vector<64x128xf32>
    %sub3A_218 = arith.subf %select_n3A_14, %sub3A_217 : vector<64x128xf32>
    %max3A_219 = arith.constant 0.000000e+00 : f32
    %max3A_220 = vector.broadcast %max3A_219 : f32 to vector<64x128xf32>
    %max3A_221 = arith.maximumf %sub3A_218, %max3A_220 : vector<64x128xf32>
    %add3A_222 = arith.addf %add3A_194, %max3A_221 : vector<64x128xf32>
    %slice3A_223 = vector.extract_strided_slice %select_n3A {offsets = [0, 29], sizes = [64, 1], strides = [1, 1]} : vector<64x128xf32> to vector<64x1xf32>
    %sub3A_224 = vector.broadcast %slice3A_223 : vector<64x1xf32> to vector<64x128xf32>
    %sub3A_225 = arith.subf %select_n3A_14, %sub3A_224 : vector<64x128xf32>
    %max3A_226 = arith.constant 0.000000e+00 : f32
    %max3A_227 = vector.broadcast %max3A_226 : f32 to vector<64x128xf32>
    %max3A_228 = arith.maximumf %sub3A_225, %max3A_227 : vector<64x128xf32>
    %add3A_229 = arith.addf %add3A_201, %max3A_228 : vector<64x128xf32>
    %slice3A_230 = vector.extract_strided_slice %select_n3A {offsets = [0, 30], sizes = [64, 1], strides = [1, 1]} : vector<64x128xf32> to vector<64x1xf32>
    %sub3A_231 = vector.broadcast %slice3A_230 : vector<64x1xf32> to vector<64x128xf32>
    %sub3A_232 = arith.subf %select_n3A_14, %sub3A_231 : vector<64x128xf32>
    %max3A_233 = arith.constant 0.000000e+00 : f32
    %max3A_234 = vector.broadcast %max3A_233 : f32 to vector<64x128xf32>
    %max3A_235 = arith.maximumf %sub3A_232, %max3A_234 : vector<64x128xf32>
    %add3A_236 = arith.addf %add3A_208, %max3A_235 : vector<64x128xf32>
    %slice3A_237 = vector.extract_strided_slice %select_n3A {offsets = [0, 31], sizes = [64, 1], strides = [1, 1]} : vector<64x128xf32> to vector<64x1xf32>
    %sub3A_238 = vector.broadcast %slice3A_237 : vector<64x1xf32> to vector<64x128xf32>
    %sub3A_239 = arith.subf %select_n3A_14, %sub3A_238 : vector<64x128xf32>
    %max3A_240 = arith.constant 0.000000e+00 : f32
    %max3A_241 = vector.broadcast %max3A_240 : f32 to vector<64x128xf32>
    %max3A_242 = arith.maximumf %sub3A_239, %max3A_241 : vector<64x128xf32>
    %add3A_243 = arith.addf %add3A_215, %max3A_242 : vector<64x128xf32>
    %slice3A_244 = vector.extract_strided_slice %select_n3A {offsets = [0, 32], sizes = [64, 1], strides = [1, 1]} : vector<64x128xf32> to vector<64x1xf32>
    %sub3A_245 = vector.broadcast %slice3A_244 : vector<64x1xf32> to vector<64x128xf32>
    %sub3A_246 = arith.subf %select_n3A_14, %sub3A_245 : vector<64x128xf32>
    %max3A_247 = arith.constant 0.000000e+00 : f32
    %max3A_248 = vector.broadcast %max3A_247 : f32 to vector<64x128xf32>
    %max3A_249 = arith.maximumf %sub3A_246, %max3A_248 : vector<64x128xf32>
    %add3A_250 = arith.addf %add3A_222, %max3A_249 : vector<64x128xf32>
    %slice3A_251 = vector.extract_strided_slice %select_n3A {offsets = [0, 33], sizes = [64, 1], strides = [1, 1]} : vector<64x128xf32> to vector<64x1xf32>
    %sub3A_252 = vector.broadcast %slice3A_251 : vector<64x1xf32> to vector<64x128xf32>
    %sub3A_253 = arith.subf %select_n3A_14, %sub3A_252 : vector<64x128xf32>
    %max3A_254 = arith.constant 0.000000e+00 : f32
    %max3A_255 = vector.broadcast %max3A_254 : f32 to vector<64x128xf32>
    %max3A_256 = arith.maximumf %sub3A_253, %max3A_255 : vector<64x128xf32>
    %add3A_257 = arith.addf %add3A_229, %max3A_256 : vector<64x128xf32>
    %slice3A_258 = vector.extract_strided_slice %select_n3A {offsets = [0, 34], sizes = [64, 1], strides = [1, 1]} : vector<64x128xf32> to vector<64x1xf32>
    %sub3A_259 = vector.broadcast %slice3A_258 : vector<64x1xf32> to vector<64x128xf32>
    %sub3A_260 = arith.subf %select_n3A_14, %sub3A_259 : vector<64x128xf32>
    %max3A_261 = arith.constant 0.000000e+00 : f32
    %max3A_262 = vector.broadcast %max3A_261 : f32 to vector<64x128xf32>
    %max3A_263 = arith.maximumf %sub3A_260, %max3A_262 : vector<64x128xf32>
    %add3A_264 = arith.addf %add3A_236, %max3A_263 : vector<64x128xf32>
    %slice3A_265 = vector.extract_strided_slice %select_n3A {offsets = [0, 35], sizes = [64, 1], strides = [1, 1]} : vector<64x128xf32> to vector<64x1xf32>
    %sub3A_266 = vector.broadcast %slice3A_265 : vector<64x1xf32> to vector<64x128xf32>
    %sub3A_267 = arith.subf %select_n3A_14, %sub3A_266 : vector<64x128xf32>
    %max3A_268 = arith.constant 0.000000e+00 : f32
    %max3A_269 = vector.broadcast %max3A_268 : f32 to vector<64x128xf32>
    %max3A_270 = arith.maximumf %sub3A_267, %max3A_269 : vector<64x128xf32>
    %add3A_271 = arith.addf %add3A_243, %max3A_270 : vector<64x128xf32>
    %slice3A_272 = vector.extract_strided_slice %select_n3A {offsets = [0, 36], sizes = [64, 1], strides = [1, 1]} : vector<64x128xf32> to vector<64x1xf32>
    %sub3A_273 = vector.broadcast %slice3A_272 : vector<64x1xf32> to vector<64x128xf32>
    %sub3A_274 = arith.subf %select_n3A_14, %sub3A_273 : vector<64x128xf32>
    %max3A_275 = arith.constant 0.000000e+00 : f32
    %max3A_276 = vector.broadcast %max3A_275 : f32 to vector<64x128xf32>
    %max3A_277 = arith.maximumf %sub3A_274, %max3A_276 : vector<64x128xf32>
    %add3A_278 = arith.addf %add3A_250, %max3A_277 : vector<64x128xf32>
    %slice3A_279 = vector.extract_strided_slice %select_n3A {offsets = [0, 37], sizes = [64, 1], strides = [1, 1]} : vector<64x128xf32> to vector<64x1xf32>
    %sub3A_280 = vector.broadcast %slice3A_279 : vector<64x1xf32> to vector<64x128xf32>
    %sub3A_281 = arith.subf %select_n3A_14, %sub3A_280 : vector<64x128xf32>
    %max3A_282 = arith.constant 0.000000e+00 : f32
    %max3A_283 = vector.broadcast %max3A_282 : f32 to vector<64x128xf32>
    %max3A_284 = arith.maximumf %sub3A_281, %max3A_283 : vector<64x128xf32>
    %add3A_285 = arith.addf %add3A_257, %max3A_284 : vector<64x128xf32>
    %slice3A_286 = vector.extract_strided_slice %select_n3A {offsets = [0, 38], sizes = [64, 1], strides = [1, 1]} : vector<64x128xf32> to vector<64x1xf32>
    %sub3A_287 = vector.broadcast %slice3A_286 : vector<64x1xf32> to vector<64x128xf32>
    %sub3A_288 = arith.subf %select_n3A_14, %sub3A_287 : vector<64x128xf32>
    %max3A_289 = arith.constant 0.000000e+00 : f32
    %max3A_290 = vector.broadcast %max3A_289 : f32 to vector<64x128xf32>
    %max3A_291 = arith.maximumf %sub3A_288, %max3A_290 : vector<64x128xf32>
    %add3A_292 = arith.addf %add3A_264, %max3A_291 : vector<64x128xf32>
    %slice3A_293 = vector.extract_strided_slice %select_n3A {offsets = [0, 39], sizes = [64, 1], strides = [1, 1]} : vector<64x128xf32> to vector<64x1xf32>
    %sub3A_294 = vector.broadcast %slice3A_293 : vector<64x1xf32> to vector<64x128xf32>
    %sub3A_295 = arith.subf %select_n3A_14, %sub3A_294 : vector<64x128xf32>
    %max3A_296 = arith.constant 0.000000e+00 : f32
    %max3A_297 = vector.broadcast %max3A_296 : f32 to vector<64x128xf32>
    %max3A_298 = arith.maximumf %sub3A_295, %max3A_297 : vector<64x128xf32>
    %add3A_299 = arith.addf %add3A_271, %max3A_298 : vector<64x128xf32>
    %slice3A_300 = vector.extract_strided_slice %select_n3A {offsets = [0, 40], sizes = [64, 1], strides = [1, 1]} : vector<64x128xf32> to vector<64x1xf32>
    %sub3A_301 = vector.broadcast %slice3A_300 : vector<64x1xf32> to vector<64x128xf32>
    %sub3A_302 = arith.subf %select_n3A_14, %sub3A_301 : vector<64x128xf32>
    %max3A_303 = arith.constant 0.000000e+00 : f32
    %max3A_304 = vector.broadcast %max3A_303 : f32 to vector<64x128xf32>
    %max3A_305 = arith.maximumf %sub3A_302, %max3A_304 : vector<64x128xf32>
    %add3A_306 = arith.addf %add3A_278, %max3A_305 : vector<64x128xf32>
    %slice3A_307 = vector.extract_strided_slice %select_n3A {offsets = [0, 41], sizes = [64, 1], strides = [1, 1]} : vector<64x128xf32> to vector<64x1xf32>
    %sub3A_308 = vector.broadcast %slice3A_307 : vector<64x1xf32> to vector<64x128xf32>
    %sub3A_309 = arith.subf %select_n3A_14, %sub3A_308 : vector<64x128xf32>
    %max3A_310 = arith.constant 0.000000e+00 : f32
    %max3A_311 = vector.broadcast %max3A_310 : f32 to vector<64x128xf32>
    %max3A_312 = arith.maximumf %sub3A_309, %max3A_311 : vector<64x128xf32>
    %add3A_313 = arith.addf %add3A_285, %max3A_312 : vector<64x128xf32>
    %slice3A_314 = vector.extract_strided_slice %select_n3A {offsets = [0, 42], sizes = [64, 1], strides = [1, 1]} : vector<64x128xf32> to vector<64x1xf32>
    %sub3A_315 = vector.broadcast %slice3A_314 : vector<64x1xf32> to vector<64x128xf32>
    %sub3A_316 = arith.subf %select_n3A_14, %sub3A_315 : vector<64x128xf32>
    %max3A_317 = arith.constant 0.000000e+00 : f32
    %max3A_318 = vector.broadcast %max3A_317 : f32 to vector<64x128xf32>
    %max3A_319 = arith.maximumf %sub3A_316, %max3A_318 : vector<64x128xf32>
    %add3A_320 = arith.addf %add3A_292, %max3A_319 : vector<64x128xf32>
    %slice3A_321 = vector.extract_strided_slice %select_n3A {offsets = [0, 43], sizes = [64, 1], strides = [1, 1]} : vector<64x128xf32> to vector<64x1xf32>
    %sub3A_322 = vector.broadcast %slice3A_321 : vector<64x1xf32> to vector<64x128xf32>
    %sub3A_323 = arith.subf %select_n3A_14, %sub3A_322 : vector<64x128xf32>
    %max3A_324 = arith.constant 0.000000e+00 : f32
    %max3A_325 = vector.broadcast %max3A_324 : f32 to vector<64x128xf32>
    %max3A_326 = arith.maximumf %sub3A_323, %max3A_325 : vector<64x128xf32>
    %add3A_327 = arith.addf %add3A_299, %max3A_326 : vector<64x128xf32>
    %slice3A_328 = vector.extract_strided_slice %select_n3A {offsets = [0, 44], sizes = [64, 1], strides = [1, 1]} : vector<64x128xf32> to vector<64x1xf32>
    %sub3A_329 = vector.broadcast %slice3A_328 : vector<64x1xf32> to vector<64x128xf32>
    %sub3A_330 = arith.subf %select_n3A_14, %sub3A_329 : vector<64x128xf32>
    %max3A_331 = arith.constant 0.000000e+00 : f32
    %max3A_332 = vector.broadcast %max3A_331 : f32 to vector<64x128xf32>
    %max3A_333 = arith.maximumf %sub3A_330, %max3A_332 : vector<64x128xf32>
    %add3A_334 = arith.addf %add3A_306, %max3A_333 : vector<64x128xf32>
    %slice3A_335 = vector.extract_strided_slice %select_n3A {offsets = [0, 45], sizes = [64, 1], strides = [1, 1]} : vector<64x128xf32> to vector<64x1xf32>
    %sub3A_336 = vector.broadcast %slice3A_335 : vector<64x1xf32> to vector<64x128xf32>
    %sub3A_337 = arith.subf %select_n3A_14, %sub3A_336 : vector<64x128xf32>
    %max3A_338 = arith.constant 0.000000e+00 : f32
    %max3A_339 = vector.broadcast %max3A_338 : f32 to vector<64x128xf32>
    %max3A_340 = arith.maximumf %sub3A_337, %max3A_339 : vector<64x128xf32>
    %add3A_341 = arith.addf %add3A_313, %max3A_340 : vector<64x128xf32>
    %slice3A_342 = vector.extract_strided_slice %select_n3A {offsets = [0, 46], sizes = [64, 1], strides = [1, 1]} : vector<64x128xf32> to vector<64x1xf32>
    %sub3A_343 = vector.broadcast %slice3A_342 : vector<64x1xf32> to vector<64x128xf32>
    %sub3A_344 = arith.subf %select_n3A_14, %sub3A_343 : vector<64x128xf32>
    %max3A_345 = arith.constant 0.000000e+00 : f32
    %max3A_346 = vector.broadcast %max3A_345 : f32 to vector<64x128xf32>
    %max3A_347 = arith.maximumf %sub3A_344, %max3A_346 : vector<64x128xf32>
    %add3A_348 = arith.addf %add3A_320, %max3A_347 : vector<64x128xf32>
    %slice3A_349 = vector.extract_strided_slice %select_n3A {offsets = [0, 47], sizes = [64, 1], strides = [1, 1]} : vector<64x128xf32> to vector<64x1xf32>
    %sub3A_350 = vector.broadcast %slice3A_349 : vector<64x1xf32> to vector<64x128xf32>
    %sub3A_351 = arith.subf %select_n3A_14, %sub3A_350 : vector<64x128xf32>
    %max3A_352 = arith.constant 0.000000e+00 : f32
    %max3A_353 = vector.broadcast %max3A_352 : f32 to vector<64x128xf32>
    %max3A_354 = arith.maximumf %sub3A_351, %max3A_353 : vector<64x128xf32>
    %add3A_355 = arith.addf %add3A_327, %max3A_354 : vector<64x128xf32>
    %slice3A_356 = vector.extract_strided_slice %select_n3A {offsets = [0, 48], sizes = [64, 1], strides = [1, 1]} : vector<64x128xf32> to vector<64x1xf32>
    %sub3A_357 = vector.broadcast %slice3A_356 : vector<64x1xf32> to vector<64x128xf32>
    %sub3A_358 = arith.subf %select_n3A_14, %sub3A_357 : vector<64x128xf32>
    %max3A_359 = arith.constant 0.000000e+00 : f32
    %max3A_360 = vector.broadcast %max3A_359 : f32 to vector<64x128xf32>
    %max3A_361 = arith.maximumf %sub3A_358, %max3A_360 : vector<64x128xf32>
    %add3A_362 = arith.addf %add3A_334, %max3A_361 : vector<64x128xf32>
    %slice3A_363 = vector.extract_strided_slice %select_n3A {offsets = [0, 49], sizes = [64, 1], strides = [1, 1]} : vector<64x128xf32> to vector<64x1xf32>
    %sub3A_364 = vector.broadcast %slice3A_363 : vector<64x1xf32> to vector<64x128xf32>
    %sub3A_365 = arith.subf %select_n3A_14, %sub3A_364 : vector<64x128xf32>
    %max3A_366 = arith.constant 0.000000e+00 : f32
    %max3A_367 = vector.broadcast %max3A_366 : f32 to vector<64x128xf32>
    %max3A_368 = arith.maximumf %sub3A_365, %max3A_367 : vector<64x128xf32>
    %add3A_369 = arith.addf %add3A_341, %max3A_368 : vector<64x128xf32>
    %slice3A_370 = vector.extract_strided_slice %select_n3A {offsets = [0, 50], sizes = [64, 1], strides = [1, 1]} : vector<64x128xf32> to vector<64x1xf32>
    %sub3A_371 = vector.broadcast %slice3A_370 : vector<64x1xf32> to vector<64x128xf32>
    %sub3A_372 = arith.subf %select_n3A_14, %sub3A_371 : vector<64x128xf32>
    %max3A_373 = arith.constant 0.000000e+00 : f32
    %max3A_374 = vector.broadcast %max3A_373 : f32 to vector<64x128xf32>
    %max3A_375 = arith.maximumf %sub3A_372, %max3A_374 : vector<64x128xf32>
    %add3A_376 = arith.addf %add3A_348, %max3A_375 : vector<64x128xf32>
    %slice3A_377 = vector.extract_strided_slice %select_n3A {offsets = [0, 51], sizes = [64, 1], strides = [1, 1]} : vector<64x128xf32> to vector<64x1xf32>
    %sub3A_378 = vector.broadcast %slice3A_377 : vector<64x1xf32> to vector<64x128xf32>
    %sub3A_379 = arith.subf %select_n3A_14, %sub3A_378 : vector<64x128xf32>
    %max3A_380 = arith.constant 0.000000e+00 : f32
    %max3A_381 = vector.broadcast %max3A_380 : f32 to vector<64x128xf32>
    %max3A_382 = arith.maximumf %sub3A_379, %max3A_381 : vector<64x128xf32>
    %add3A_383 = arith.addf %add3A_355, %max3A_382 : vector<64x128xf32>
    %slice3A_384 = vector.extract_strided_slice %select_n3A {offsets = [0, 52], sizes = [64, 1], strides = [1, 1]} : vector<64x128xf32> to vector<64x1xf32>
    %sub3A_385 = vector.broadcast %slice3A_384 : vector<64x1xf32> to vector<64x128xf32>
    %sub3A_386 = arith.subf %select_n3A_14, %sub3A_385 : vector<64x128xf32>
    %max3A_387 = arith.constant 0.000000e+00 : f32
    %max3A_388 = vector.broadcast %max3A_387 : f32 to vector<64x128xf32>
    %max3A_389 = arith.maximumf %sub3A_386, %max3A_388 : vector<64x128xf32>
    %add3A_390 = arith.addf %add3A_362, %max3A_389 : vector<64x128xf32>
    %slice3A_391 = vector.extract_strided_slice %select_n3A {offsets = [0, 53], sizes = [64, 1], strides = [1, 1]} : vector<64x128xf32> to vector<64x1xf32>
    %sub3A_392 = vector.broadcast %slice3A_391 : vector<64x1xf32> to vector<64x128xf32>
    %sub3A_393 = arith.subf %select_n3A_14, %sub3A_392 : vector<64x128xf32>
    %max3A_394 = arith.constant 0.000000e+00 : f32
    %max3A_395 = vector.broadcast %max3A_394 : f32 to vector<64x128xf32>
    %max3A_396 = arith.maximumf %sub3A_393, %max3A_395 : vector<64x128xf32>
    %add3A_397 = arith.addf %add3A_369, %max3A_396 : vector<64x128xf32>
    %slice3A_398 = vector.extract_strided_slice %select_n3A {offsets = [0, 54], sizes = [64, 1], strides = [1, 1]} : vector<64x128xf32> to vector<64x1xf32>
    %sub3A_399 = vector.broadcast %slice3A_398 : vector<64x1xf32> to vector<64x128xf32>
    %sub3A_400 = arith.subf %select_n3A_14, %sub3A_399 : vector<64x128xf32>
    %max3A_401 = arith.constant 0.000000e+00 : f32
    %max3A_402 = vector.broadcast %max3A_401 : f32 to vector<64x128xf32>
    %max3A_403 = arith.maximumf %sub3A_400, %max3A_402 : vector<64x128xf32>
    %add3A_404 = arith.addf %add3A_376, %max3A_403 : vector<64x128xf32>
    %slice3A_405 = vector.extract_strided_slice %select_n3A {offsets = [0, 55], sizes = [64, 1], strides = [1, 1]} : vector<64x128xf32> to vector<64x1xf32>
    %sub3A_406 = vector.broadcast %slice3A_405 : vector<64x1xf32> to vector<64x128xf32>
    %sub3A_407 = arith.subf %select_n3A_14, %sub3A_406 : vector<64x128xf32>
    %max3A_408 = arith.constant 0.000000e+00 : f32
    %max3A_409 = vector.broadcast %max3A_408 : f32 to vector<64x128xf32>
    %max3A_410 = arith.maximumf %sub3A_407, %max3A_409 : vector<64x128xf32>
    %add3A_411 = arith.addf %add3A_383, %max3A_410 : vector<64x128xf32>
    %slice3A_412 = vector.extract_strided_slice %select_n3A {offsets = [0, 56], sizes = [64, 1], strides = [1, 1]} : vector<64x128xf32> to vector<64x1xf32>
    %sub3A_413 = vector.broadcast %slice3A_412 : vector<64x1xf32> to vector<64x128xf32>
    %sub3A_414 = arith.subf %select_n3A_14, %sub3A_413 : vector<64x128xf32>
    %max3A_415 = arith.constant 0.000000e+00 : f32
    %max3A_416 = vector.broadcast %max3A_415 : f32 to vector<64x128xf32>
    %max3A_417 = arith.maximumf %sub3A_414, %max3A_416 : vector<64x128xf32>
    %add3A_418 = arith.addf %add3A_390, %max3A_417 : vector<64x128xf32>
    %slice3A_419 = vector.extract_strided_slice %select_n3A {offsets = [0, 57], sizes = [64, 1], strides = [1, 1]} : vector<64x128xf32> to vector<64x1xf32>
    %sub3A_420 = vector.broadcast %slice3A_419 : vector<64x1xf32> to vector<64x128xf32>
    %sub3A_421 = arith.subf %select_n3A_14, %sub3A_420 : vector<64x128xf32>
    %max3A_422 = arith.constant 0.000000e+00 : f32
    %max3A_423 = vector.broadcast %max3A_422 : f32 to vector<64x128xf32>
    %max3A_424 = arith.maximumf %sub3A_421, %max3A_423 : vector<64x128xf32>
    %add3A_425 = arith.addf %add3A_397, %max3A_424 : vector<64x128xf32>
    %slice3A_426 = vector.extract_strided_slice %select_n3A {offsets = [0, 58], sizes = [64, 1], strides = [1, 1]} : vector<64x128xf32> to vector<64x1xf32>
    %sub3A_427 = vector.broadcast %slice3A_426 : vector<64x1xf32> to vector<64x128xf32>
    %sub3A_428 = arith.subf %select_n3A_14, %sub3A_427 : vector<64x128xf32>
    %max3A_429 = arith.constant 0.000000e+00 : f32
    %max3A_430 = vector.broadcast %max3A_429 : f32 to vector<64x128xf32>
    %max3A_431 = arith.maximumf %sub3A_428, %max3A_430 : vector<64x128xf32>
    %add3A_432 = arith.addf %add3A_404, %max3A_431 : vector<64x128xf32>
    %slice3A_433 = vector.extract_strided_slice %select_n3A {offsets = [0, 59], sizes = [64, 1], strides = [1, 1]} : vector<64x128xf32> to vector<64x1xf32>
    %sub3A_434 = vector.broadcast %slice3A_433 : vector<64x1xf32> to vector<64x128xf32>
    %sub3A_435 = arith.subf %select_n3A_14, %sub3A_434 : vector<64x128xf32>
    %max3A_436 = arith.constant 0.000000e+00 : f32
    %max3A_437 = vector.broadcast %max3A_436 : f32 to vector<64x128xf32>
    %max3A_438 = arith.maximumf %sub3A_435, %max3A_437 : vector<64x128xf32>
    %add3A_439 = arith.addf %add3A_411, %max3A_438 : vector<64x128xf32>
    %slice3A_440 = vector.extract_strided_slice %select_n3A {offsets = [0, 60], sizes = [64, 1], strides = [1, 1]} : vector<64x128xf32> to vector<64x1xf32>
    %sub3A_441 = vector.broadcast %slice3A_440 : vector<64x1xf32> to vector<64x128xf32>
    %sub3A_442 = arith.subf %select_n3A_14, %sub3A_441 : vector<64x128xf32>
    %max3A_443 = arith.constant 0.000000e+00 : f32
    %max3A_444 = vector.broadcast %max3A_443 : f32 to vector<64x128xf32>
    %max3A_445 = arith.maximumf %sub3A_442, %max3A_444 : vector<64x128xf32>
    %add3A_446 = arith.addf %add3A_418, %max3A_445 : vector<64x128xf32>
    %slice3A_447 = vector.extract_strided_slice %select_n3A {offsets = [0, 61], sizes = [64, 1], strides = [1, 1]} : vector<64x128xf32> to vector<64x1xf32>
    %sub3A_448 = vector.broadcast %slice3A_447 : vector<64x1xf32> to vector<64x128xf32>
    %sub3A_449 = arith.subf %select_n3A_14, %sub3A_448 : vector<64x128xf32>
    %max3A_450 = arith.constant 0.000000e+00 : f32
    %max3A_451 = vector.broadcast %max3A_450 : f32 to vector<64x128xf32>
    %max3A_452 = arith.maximumf %sub3A_449, %max3A_451 : vector<64x128xf32>
    %add3A_453 = arith.addf %add3A_425, %max3A_452 : vector<64x128xf32>
    %slice3A_454 = vector.extract_strided_slice %select_n3A {offsets = [0, 62], sizes = [64, 1], strides = [1, 1]} : vector<64x128xf32> to vector<64x1xf32>
    %sub3A_455 = vector.broadcast %slice3A_454 : vector<64x1xf32> to vector<64x128xf32>
    %sub3A_456 = arith.subf %select_n3A_14, %sub3A_455 : vector<64x128xf32>
    %max3A_457 = arith.constant 0.000000e+00 : f32
    %max3A_458 = vector.broadcast %max3A_457 : f32 to vector<64x128xf32>
    %max3A_459 = arith.maximumf %sub3A_456, %max3A_458 : vector<64x128xf32>
    %add3A_460 = arith.addf %add3A_432, %max3A_459 : vector<64x128xf32>
    %slice3A_461 = vector.extract_strided_slice %select_n3A {offsets = [0, 63], sizes = [64, 1], strides = [1, 1]} : vector<64x128xf32> to vector<64x1xf32>
    %sub3A_462 = vector.broadcast %slice3A_461 : vector<64x1xf32> to vector<64x128xf32>
    %sub3A_463 = arith.subf %select_n3A_14, %sub3A_462 : vector<64x128xf32>
    %max3A_464 = arith.constant 0.000000e+00 : f32
    %max3A_465 = vector.broadcast %max3A_464 : f32 to vector<64x128xf32>
    %max3A_466 = arith.maximumf %sub3A_463, %max3A_465 : vector<64x128xf32>
    %add3A_467 = arith.addf %add3A_439, %max3A_466 : vector<64x128xf32>
    %slice3A_468 = vector.extract_strided_slice %select_n3A {offsets = [0, 64], sizes = [64, 1], strides = [1, 1]} : vector<64x128xf32> to vector<64x1xf32>
    %sub3A_469 = vector.broadcast %slice3A_468 : vector<64x1xf32> to vector<64x128xf32>
    %sub3A_470 = arith.subf %select_n3A_14, %sub3A_469 : vector<64x128xf32>
    %max3A_471 = arith.constant 0.000000e+00 : f32
    %max3A_472 = vector.broadcast %max3A_471 : f32 to vector<64x128xf32>
    %max3A_473 = arith.maximumf %sub3A_470, %max3A_472 : vector<64x128xf32>
    %add3A_474 = arith.addf %add3A_446, %max3A_473 : vector<64x128xf32>
    %slice3A_475 = vector.extract_strided_slice %select_n3A {offsets = [0, 65], sizes = [64, 1], strides = [1, 1]} : vector<64x128xf32> to vector<64x1xf32>
    %sub3A_476 = vector.broadcast %slice3A_475 : vector<64x1xf32> to vector<64x128xf32>
    %sub3A_477 = arith.subf %select_n3A_14, %sub3A_476 : vector<64x128xf32>
    %max3A_478 = arith.constant 0.000000e+00 : f32
    %max3A_479 = vector.broadcast %max3A_478 : f32 to vector<64x128xf32>
    %max3A_480 = arith.maximumf %sub3A_477, %max3A_479 : vector<64x128xf32>
    %add3A_481 = arith.addf %add3A_453, %max3A_480 : vector<64x128xf32>
    %slice3A_482 = vector.extract_strided_slice %select_n3A {offsets = [0, 66], sizes = [64, 1], strides = [1, 1]} : vector<64x128xf32> to vector<64x1xf32>
    %sub3A_483 = vector.broadcast %slice3A_482 : vector<64x1xf32> to vector<64x128xf32>
    %sub3A_484 = arith.subf %select_n3A_14, %sub3A_483 : vector<64x128xf32>
    %max3A_485 = arith.constant 0.000000e+00 : f32
    %max3A_486 = vector.broadcast %max3A_485 : f32 to vector<64x128xf32>
    %max3A_487 = arith.maximumf %sub3A_484, %max3A_486 : vector<64x128xf32>
    %add3A_488 = arith.addf %add3A_460, %max3A_487 : vector<64x128xf32>
    %slice3A_489 = vector.extract_strided_slice %select_n3A {offsets = [0, 67], sizes = [64, 1], strides = [1, 1]} : vector<64x128xf32> to vector<64x1xf32>
    %sub3A_490 = vector.broadcast %slice3A_489 : vector<64x1xf32> to vector<64x128xf32>
    %sub3A_491 = arith.subf %select_n3A_14, %sub3A_490 : vector<64x128xf32>
    %max3A_492 = arith.constant 0.000000e+00 : f32
    %max3A_493 = vector.broadcast %max3A_492 : f32 to vector<64x128xf32>
    %max3A_494 = arith.maximumf %sub3A_491, %max3A_493 : vector<64x128xf32>
    %add3A_495 = arith.addf %add3A_467, %max3A_494 : vector<64x128xf32>
    %slice3A_496 = vector.extract_strided_slice %select_n3A {offsets = [0, 68], sizes = [64, 1], strides = [1, 1]} : vector<64x128xf32> to vector<64x1xf32>
    %sub3A_497 = vector.broadcast %slice3A_496 : vector<64x1xf32> to vector<64x128xf32>
    %sub3A_498 = arith.subf %select_n3A_14, %sub3A_497 : vector<64x128xf32>
    %max3A_499 = arith.constant 0.000000e+00 : f32
    %max3A_500 = vector.broadcast %max3A_499 : f32 to vector<64x128xf32>
    %max3A_501 = arith.maximumf %sub3A_498, %max3A_500 : vector<64x128xf32>
    %add3A_502 = arith.addf %add3A_474, %max3A_501 : vector<64x128xf32>
    %slice3A_503 = vector.extract_strided_slice %select_n3A {offsets = [0, 69], sizes = [64, 1], strides = [1, 1]} : vector<64x128xf32> to vector<64x1xf32>
    %sub3A_504 = vector.broadcast %slice3A_503 : vector<64x1xf32> to vector<64x128xf32>
    %sub3A_505 = arith.subf %select_n3A_14, %sub3A_504 : vector<64x128xf32>
    %max3A_506 = arith.constant 0.000000e+00 : f32
    %max3A_507 = vector.broadcast %max3A_506 : f32 to vector<64x128xf32>
    %max3A_508 = arith.maximumf %sub3A_505, %max3A_507 : vector<64x128xf32>
    %add3A_509 = arith.addf %add3A_481, %max3A_508 : vector<64x128xf32>
    %slice3A_510 = vector.extract_strided_slice %select_n3A {offsets = [0, 70], sizes = [64, 1], strides = [1, 1]} : vector<64x128xf32> to vector<64x1xf32>
    %sub3A_511 = vector.broadcast %slice3A_510 : vector<64x1xf32> to vector<64x128xf32>
    %sub3A_512 = arith.subf %select_n3A_14, %sub3A_511 : vector<64x128xf32>
    %max3A_513 = arith.constant 0.000000e+00 : f32
    %max3A_514 = vector.broadcast %max3A_513 : f32 to vector<64x128xf32>
    %max3A_515 = arith.maximumf %sub3A_512, %max3A_514 : vector<64x128xf32>
    %add3A_516 = arith.addf %add3A_488, %max3A_515 : vector<64x128xf32>
    %slice3A_517 = vector.extract_strided_slice %select_n3A {offsets = [0, 71], sizes = [64, 1], strides = [1, 1]} : vector<64x128xf32> to vector<64x1xf32>
    %sub3A_518 = vector.broadcast %slice3A_517 : vector<64x1xf32> to vector<64x128xf32>
    %sub3A_519 = arith.subf %select_n3A_14, %sub3A_518 : vector<64x128xf32>
    %max3A_520 = arith.constant 0.000000e+00 : f32
    %max3A_521 = vector.broadcast %max3A_520 : f32 to vector<64x128xf32>
    %max3A_522 = arith.maximumf %sub3A_519, %max3A_521 : vector<64x128xf32>
    %add3A_523 = arith.addf %add3A_495, %max3A_522 : vector<64x128xf32>
    %slice3A_524 = vector.extract_strided_slice %select_n3A {offsets = [0, 72], sizes = [64, 1], strides = [1, 1]} : vector<64x128xf32> to vector<64x1xf32>
    %sub3A_525 = vector.broadcast %slice3A_524 : vector<64x1xf32> to vector<64x128xf32>
    %sub3A_526 = arith.subf %select_n3A_14, %sub3A_525 : vector<64x128xf32>
    %max3A_527 = arith.constant 0.000000e+00 : f32
    %max3A_528 = vector.broadcast %max3A_527 : f32 to vector<64x128xf32>
    %max3A_529 = arith.maximumf %sub3A_526, %max3A_528 : vector<64x128xf32>
    %add3A_530 = arith.addf %add3A_502, %max3A_529 : vector<64x128xf32>
    %slice3A_531 = vector.extract_strided_slice %select_n3A {offsets = [0, 73], sizes = [64, 1], strides = [1, 1]} : vector<64x128xf32> to vector<64x1xf32>
    %sub3A_532 = vector.broadcast %slice3A_531 : vector<64x1xf32> to vector<64x128xf32>
    %sub3A_533 = arith.subf %select_n3A_14, %sub3A_532 : vector<64x128xf32>
    %max3A_534 = arith.constant 0.000000e+00 : f32
    %max3A_535 = vector.broadcast %max3A_534 : f32 to vector<64x128xf32>
    %max3A_536 = arith.maximumf %sub3A_533, %max3A_535 : vector<64x128xf32>
    %add3A_537 = arith.addf %add3A_509, %max3A_536 : vector<64x128xf32>
    %slice3A_538 = vector.extract_strided_slice %select_n3A {offsets = [0, 74], sizes = [64, 1], strides = [1, 1]} : vector<64x128xf32> to vector<64x1xf32>
    %sub3A_539 = vector.broadcast %slice3A_538 : vector<64x1xf32> to vector<64x128xf32>
    %sub3A_540 = arith.subf %select_n3A_14, %sub3A_539 : vector<64x128xf32>
    %max3A_541 = arith.constant 0.000000e+00 : f32
    %max3A_542 = vector.broadcast %max3A_541 : f32 to vector<64x128xf32>
    %max3A_543 = arith.maximumf %sub3A_540, %max3A_542 : vector<64x128xf32>
    %add3A_544 = arith.addf %add3A_516, %max3A_543 : vector<64x128xf32>
    %slice3A_545 = vector.extract_strided_slice %select_n3A {offsets = [0, 75], sizes = [64, 1], strides = [1, 1]} : vector<64x128xf32> to vector<64x1xf32>
    %sub3A_546 = vector.broadcast %slice3A_545 : vector<64x1xf32> to vector<64x128xf32>
    %sub3A_547 = arith.subf %select_n3A_14, %sub3A_546 : vector<64x128xf32>
    %max3A_548 = arith.constant 0.000000e+00 : f32
    %max3A_549 = vector.broadcast %max3A_548 : f32 to vector<64x128xf32>
    %max3A_550 = arith.maximumf %sub3A_547, %max3A_549 : vector<64x128xf32>
    %add3A_551 = arith.addf %add3A_523, %max3A_550 : vector<64x128xf32>
    %slice3A_552 = vector.extract_strided_slice %select_n3A {offsets = [0, 76], sizes = [64, 1], strides = [1, 1]} : vector<64x128xf32> to vector<64x1xf32>
    %sub3A_553 = vector.broadcast %slice3A_552 : vector<64x1xf32> to vector<64x128xf32>
    %sub3A_554 = arith.subf %select_n3A_14, %sub3A_553 : vector<64x128xf32>
    %max3A_555 = arith.constant 0.000000e+00 : f32
    %max3A_556 = vector.broadcast %max3A_555 : f32 to vector<64x128xf32>
    %max3A_557 = arith.maximumf %sub3A_554, %max3A_556 : vector<64x128xf32>
    %add3A_558 = arith.addf %add3A_530, %max3A_557 : vector<64x128xf32>
    %slice3A_559 = vector.extract_strided_slice %select_n3A {offsets = [0, 77], sizes = [64, 1], strides = [1, 1]} : vector<64x128xf32> to vector<64x1xf32>
    %sub3A_560 = vector.broadcast %slice3A_559 : vector<64x1xf32> to vector<64x128xf32>
    %sub3A_561 = arith.subf %select_n3A_14, %sub3A_560 : vector<64x128xf32>
    %max3A_562 = arith.constant 0.000000e+00 : f32
    %max3A_563 = vector.broadcast %max3A_562 : f32 to vector<64x128xf32>
    %max3A_564 = arith.maximumf %sub3A_561, %max3A_563 : vector<64x128xf32>
    %add3A_565 = arith.addf %add3A_537, %max3A_564 : vector<64x128xf32>
    %slice3A_566 = vector.extract_strided_slice %select_n3A {offsets = [0, 78], sizes = [64, 1], strides = [1, 1]} : vector<64x128xf32> to vector<64x1xf32>
    %sub3A_567 = vector.broadcast %slice3A_566 : vector<64x1xf32> to vector<64x128xf32>
    %sub3A_568 = arith.subf %select_n3A_14, %sub3A_567 : vector<64x128xf32>
    %max3A_569 = arith.constant 0.000000e+00 : f32
    %max3A_570 = vector.broadcast %max3A_569 : f32 to vector<64x128xf32>
    %max3A_571 = arith.maximumf %sub3A_568, %max3A_570 : vector<64x128xf32>
    %add3A_572 = arith.addf %add3A_544, %max3A_571 : vector<64x128xf32>
    %slice3A_573 = vector.extract_strided_slice %select_n3A {offsets = [0, 79], sizes = [64, 1], strides = [1, 1]} : vector<64x128xf32> to vector<64x1xf32>
    %sub3A_574 = vector.broadcast %slice3A_573 : vector<64x1xf32> to vector<64x128xf32>
    %sub3A_575 = arith.subf %select_n3A_14, %sub3A_574 : vector<64x128xf32>
    %max3A_576 = arith.constant 0.000000e+00 : f32
    %max3A_577 = vector.broadcast %max3A_576 : f32 to vector<64x128xf32>
    %max3A_578 = arith.maximumf %sub3A_575, %max3A_577 : vector<64x128xf32>
    %add3A_579 = arith.addf %add3A_551, %max3A_578 : vector<64x128xf32>
    %slice3A_580 = vector.extract_strided_slice %select_n3A {offsets = [0, 80], sizes = [64, 1], strides = [1, 1]} : vector<64x128xf32> to vector<64x1xf32>
    %sub3A_581 = vector.broadcast %slice3A_580 : vector<64x1xf32> to vector<64x128xf32>
    %sub3A_582 = arith.subf %select_n3A_14, %sub3A_581 : vector<64x128xf32>
    %max3A_583 = arith.constant 0.000000e+00 : f32
    %max3A_584 = vector.broadcast %max3A_583 : f32 to vector<64x128xf32>
    %max3A_585 = arith.maximumf %sub3A_582, %max3A_584 : vector<64x128xf32>
    %add3A_586 = arith.addf %add3A_558, %max3A_585 : vector<64x128xf32>
    %slice3A_587 = vector.extract_strided_slice %select_n3A {offsets = [0, 81], sizes = [64, 1], strides = [1, 1]} : vector<64x128xf32> to vector<64x1xf32>
    %sub3A_588 = vector.broadcast %slice3A_587 : vector<64x1xf32> to vector<64x128xf32>
    %sub3A_589 = arith.subf %select_n3A_14, %sub3A_588 : vector<64x128xf32>
    %max3A_590 = arith.constant 0.000000e+00 : f32
    %max3A_591 = vector.broadcast %max3A_590 : f32 to vector<64x128xf32>
    %max3A_592 = arith.maximumf %sub3A_589, %max3A_591 : vector<64x128xf32>
    %add3A_593 = arith.addf %add3A_565, %max3A_592 : vector<64x128xf32>
    %slice3A_594 = vector.extract_strided_slice %select_n3A {offsets = [0, 82], sizes = [64, 1], strides = [1, 1]} : vector<64x128xf32> to vector<64x1xf32>
    %sub3A_595 = vector.broadcast %slice3A_594 : vector<64x1xf32> to vector<64x128xf32>
    %sub3A_596 = arith.subf %select_n3A_14, %sub3A_595 : vector<64x128xf32>
    %max3A_597 = arith.constant 0.000000e+00 : f32
    %max3A_598 = vector.broadcast %max3A_597 : f32 to vector<64x128xf32>
    %max3A_599 = arith.maximumf %sub3A_596, %max3A_598 : vector<64x128xf32>
    %add3A_600 = arith.addf %add3A_572, %max3A_599 : vector<64x128xf32>
    %slice3A_601 = vector.extract_strided_slice %select_n3A {offsets = [0, 83], sizes = [64, 1], strides = [1, 1]} : vector<64x128xf32> to vector<64x1xf32>
    %sub3A_602 = vector.broadcast %slice3A_601 : vector<64x1xf32> to vector<64x128xf32>
    %sub3A_603 = arith.subf %select_n3A_14, %sub3A_602 : vector<64x128xf32>
    %max3A_604 = arith.constant 0.000000e+00 : f32
    %max3A_605 = vector.broadcast %max3A_604 : f32 to vector<64x128xf32>
    %max3A_606 = arith.maximumf %sub3A_603, %max3A_605 : vector<64x128xf32>
    %add3A_607 = arith.addf %add3A_579, %max3A_606 : vector<64x128xf32>
    %slice3A_608 = vector.extract_strided_slice %select_n3A {offsets = [0, 84], sizes = [64, 1], strides = [1, 1]} : vector<64x128xf32> to vector<64x1xf32>
    %sub3A_609 = vector.broadcast %slice3A_608 : vector<64x1xf32> to vector<64x128xf32>
    %sub3A_610 = arith.subf %select_n3A_14, %sub3A_609 : vector<64x128xf32>
    %max3A_611 = arith.constant 0.000000e+00 : f32
    %max3A_612 = vector.broadcast %max3A_611 : f32 to vector<64x128xf32>
    %max3A_613 = arith.maximumf %sub3A_610, %max3A_612 : vector<64x128xf32>
    %add3A_614 = arith.addf %add3A_586, %max3A_613 : vector<64x128xf32>
    %slice3A_615 = vector.extract_strided_slice %select_n3A {offsets = [0, 85], sizes = [64, 1], strides = [1, 1]} : vector<64x128xf32> to vector<64x1xf32>
    %sub3A_616 = vector.broadcast %slice3A_615 : vector<64x1xf32> to vector<64x128xf32>
    %sub3A_617 = arith.subf %select_n3A_14, %sub3A_616 : vector<64x128xf32>
    %max3A_618 = arith.constant 0.000000e+00 : f32
    %max3A_619 = vector.broadcast %max3A_618 : f32 to vector<64x128xf32>
    %max3A_620 = arith.maximumf %sub3A_617, %max3A_619 : vector<64x128xf32>
    %add3A_621 = arith.addf %add3A_593, %max3A_620 : vector<64x128xf32>
    %slice3A_622 = vector.extract_strided_slice %select_n3A {offsets = [0, 86], sizes = [64, 1], strides = [1, 1]} : vector<64x128xf32> to vector<64x1xf32>
    %sub3A_623 = vector.broadcast %slice3A_622 : vector<64x1xf32> to vector<64x128xf32>
    %sub3A_624 = arith.subf %select_n3A_14, %sub3A_623 : vector<64x128xf32>
    %max3A_625 = arith.constant 0.000000e+00 : f32
    %max3A_626 = vector.broadcast %max3A_625 : f32 to vector<64x128xf32>
    %max3A_627 = arith.maximumf %sub3A_624, %max3A_626 : vector<64x128xf32>
    %add3A_628 = arith.addf %add3A_600, %max3A_627 : vector<64x128xf32>
    %slice3A_629 = vector.extract_strided_slice %select_n3A {offsets = [0, 87], sizes = [64, 1], strides = [1, 1]} : vector<64x128xf32> to vector<64x1xf32>
    %sub3A_630 = vector.broadcast %slice3A_629 : vector<64x1xf32> to vector<64x128xf32>
    %sub3A_631 = arith.subf %select_n3A_14, %sub3A_630 : vector<64x128xf32>
    %max3A_632 = arith.constant 0.000000e+00 : f32
    %max3A_633 = vector.broadcast %max3A_632 : f32 to vector<64x128xf32>
    %max3A_634 = arith.maximumf %sub3A_631, %max3A_633 : vector<64x128xf32>
    %add3A_635 = arith.addf %add3A_607, %max3A_634 : vector<64x128xf32>
    %slice3A_636 = vector.extract_strided_slice %select_n3A {offsets = [0, 88], sizes = [64, 1], strides = [1, 1]} : vector<64x128xf32> to vector<64x1xf32>
    %sub3A_637 = vector.broadcast %slice3A_636 : vector<64x1xf32> to vector<64x128xf32>
    %sub3A_638 = arith.subf %select_n3A_14, %sub3A_637 : vector<64x128xf32>
    %max3A_639 = arith.constant 0.000000e+00 : f32
    %max3A_640 = vector.broadcast %max3A_639 : f32 to vector<64x128xf32>
    %max3A_641 = arith.maximumf %sub3A_638, %max3A_640 : vector<64x128xf32>
    %add3A_642 = arith.addf %add3A_614, %max3A_641 : vector<64x128xf32>
    %slice3A_643 = vector.extract_strided_slice %select_n3A {offsets = [0, 89], sizes = [64, 1], strides = [1, 1]} : vector<64x128xf32> to vector<64x1xf32>
    %sub3A_644 = vector.broadcast %slice3A_643 : vector<64x1xf32> to vector<64x128xf32>
    %sub3A_645 = arith.subf %select_n3A_14, %sub3A_644 : vector<64x128xf32>
    %max3A_646 = arith.constant 0.000000e+00 : f32
    %max3A_647 = vector.broadcast %max3A_646 : f32 to vector<64x128xf32>
    %max3A_648 = arith.maximumf %sub3A_645, %max3A_647 : vector<64x128xf32>
    %add3A_649 = arith.addf %add3A_621, %max3A_648 : vector<64x128xf32>
    %slice3A_650 = vector.extract_strided_slice %select_n3A {offsets = [0, 90], sizes = [64, 1], strides = [1, 1]} : vector<64x128xf32> to vector<64x1xf32>
    %sub3A_651 = vector.broadcast %slice3A_650 : vector<64x1xf32> to vector<64x128xf32>
    %sub3A_652 = arith.subf %select_n3A_14, %sub3A_651 : vector<64x128xf32>
    %max3A_653 = arith.constant 0.000000e+00 : f32
    %max3A_654 = vector.broadcast %max3A_653 : f32 to vector<64x128xf32>
    %max3A_655 = arith.maximumf %sub3A_652, %max3A_654 : vector<64x128xf32>
    %add3A_656 = arith.addf %add3A_628, %max3A_655 : vector<64x128xf32>
    %slice3A_657 = vector.extract_strided_slice %select_n3A {offsets = [0, 91], sizes = [64, 1], strides = [1, 1]} : vector<64x128xf32> to vector<64x1xf32>
    %sub3A_658 = vector.broadcast %slice3A_657 : vector<64x1xf32> to vector<64x128xf32>
    %sub3A_659 = arith.subf %select_n3A_14, %sub3A_658 : vector<64x128xf32>
    %max3A_660 = arith.constant 0.000000e+00 : f32
    %max3A_661 = vector.broadcast %max3A_660 : f32 to vector<64x128xf32>
    %max3A_662 = arith.maximumf %sub3A_659, %max3A_661 : vector<64x128xf32>
    %add3A_663 = arith.addf %add3A_635, %max3A_662 : vector<64x128xf32>
    %slice3A_664 = vector.extract_strided_slice %select_n3A {offsets = [0, 92], sizes = [64, 1], strides = [1, 1]} : vector<64x128xf32> to vector<64x1xf32>
    %sub3A_665 = vector.broadcast %slice3A_664 : vector<64x1xf32> to vector<64x128xf32>
    %sub3A_666 = arith.subf %select_n3A_14, %sub3A_665 : vector<64x128xf32>
    %max3A_667 = arith.constant 0.000000e+00 : f32
    %max3A_668 = vector.broadcast %max3A_667 : f32 to vector<64x128xf32>
    %max3A_669 = arith.maximumf %sub3A_666, %max3A_668 : vector<64x128xf32>
    %add3A_670 = arith.addf %add3A_642, %max3A_669 : vector<64x128xf32>
    %slice3A_671 = vector.extract_strided_slice %select_n3A {offsets = [0, 93], sizes = [64, 1], strides = [1, 1]} : vector<64x128xf32> to vector<64x1xf32>
    %sub3A_672 = vector.broadcast %slice3A_671 : vector<64x1xf32> to vector<64x128xf32>
    %sub3A_673 = arith.subf %select_n3A_14, %sub3A_672 : vector<64x128xf32>
    %max3A_674 = arith.constant 0.000000e+00 : f32
    %max3A_675 = vector.broadcast %max3A_674 : f32 to vector<64x128xf32>
    %max3A_676 = arith.maximumf %sub3A_673, %max3A_675 : vector<64x128xf32>
    %add3A_677 = arith.addf %add3A_649, %max3A_676 : vector<64x128xf32>
    %slice3A_678 = vector.extract_strided_slice %select_n3A {offsets = [0, 94], sizes = [64, 1], strides = [1, 1]} : vector<64x128xf32> to vector<64x1xf32>
    %sub3A_679 = vector.broadcast %slice3A_678 : vector<64x1xf32> to vector<64x128xf32>
    %sub3A_680 = arith.subf %select_n3A_14, %sub3A_679 : vector<64x128xf32>
    %max3A_681 = arith.constant 0.000000e+00 : f32
    %max3A_682 = vector.broadcast %max3A_681 : f32 to vector<64x128xf32>
    %max3A_683 = arith.maximumf %sub3A_680, %max3A_682 : vector<64x128xf32>
    %add3A_684 = arith.addf %add3A_656, %max3A_683 : vector<64x128xf32>
    %slice3A_685 = vector.extract_strided_slice %select_n3A {offsets = [0, 95], sizes = [64, 1], strides = [1, 1]} : vector<64x128xf32> to vector<64x1xf32>
    %sub3A_686 = vector.broadcast %slice3A_685 : vector<64x1xf32> to vector<64x128xf32>
    %sub3A_687 = arith.subf %select_n3A_14, %sub3A_686 : vector<64x128xf32>
    %max3A_688 = arith.constant 0.000000e+00 : f32
    %max3A_689 = vector.broadcast %max3A_688 : f32 to vector<64x128xf32>
    %max3A_690 = arith.maximumf %sub3A_687, %max3A_689 : vector<64x128xf32>
    %add3A_691 = arith.addf %add3A_663, %max3A_690 : vector<64x128xf32>
    %slice3A_692 = vector.extract_strided_slice %select_n3A {offsets = [0, 96], sizes = [64, 1], strides = [1, 1]} : vector<64x128xf32> to vector<64x1xf32>
    %sub3A_693 = vector.broadcast %slice3A_692 : vector<64x1xf32> to vector<64x128xf32>
    %sub3A_694 = arith.subf %select_n3A_14, %sub3A_693 : vector<64x128xf32>
    %max3A_695 = arith.constant 0.000000e+00 : f32
    %max3A_696 = vector.broadcast %max3A_695 : f32 to vector<64x128xf32>
    %max3A_697 = arith.maximumf %sub3A_694, %max3A_696 : vector<64x128xf32>
    %add3A_698 = arith.addf %add3A_670, %max3A_697 : vector<64x128xf32>
    %slice3A_699 = vector.extract_strided_slice %select_n3A {offsets = [0, 97], sizes = [64, 1], strides = [1, 1]} : vector<64x128xf32> to vector<64x1xf32>
    %sub3A_700 = vector.broadcast %slice3A_699 : vector<64x1xf32> to vector<64x128xf32>
    %sub3A_701 = arith.subf %select_n3A_14, %sub3A_700 : vector<64x128xf32>
    %max3A_702 = arith.constant 0.000000e+00 : f32
    %max3A_703 = vector.broadcast %max3A_702 : f32 to vector<64x128xf32>
    %max3A_704 = arith.maximumf %sub3A_701, %max3A_703 : vector<64x128xf32>
    %add3A_705 = arith.addf %add3A_677, %max3A_704 : vector<64x128xf32>
    %slice3A_706 = vector.extract_strided_slice %select_n3A {offsets = [0, 98], sizes = [64, 1], strides = [1, 1]} : vector<64x128xf32> to vector<64x1xf32>
    %sub3A_707 = vector.broadcast %slice3A_706 : vector<64x1xf32> to vector<64x128xf32>
    %sub3A_708 = arith.subf %select_n3A_14, %sub3A_707 : vector<64x128xf32>
    %max3A_709 = arith.constant 0.000000e+00 : f32
    %max3A_710 = vector.broadcast %max3A_709 : f32 to vector<64x128xf32>
    %max3A_711 = arith.maximumf %sub3A_708, %max3A_710 : vector<64x128xf32>
    %add3A_712 = arith.addf %add3A_684, %max3A_711 : vector<64x128xf32>
    %slice3A_713 = vector.extract_strided_slice %select_n3A {offsets = [0, 99], sizes = [64, 1], strides = [1, 1]} : vector<64x128xf32> to vector<64x1xf32>
    %sub3A_714 = vector.broadcast %slice3A_713 : vector<64x1xf32> to vector<64x128xf32>
    %sub3A_715 = arith.subf %select_n3A_14, %sub3A_714 : vector<64x128xf32>
    %max3A_716 = arith.constant 0.000000e+00 : f32
    %max3A_717 = vector.broadcast %max3A_716 : f32 to vector<64x128xf32>
    %max3A_718 = arith.maximumf %sub3A_715, %max3A_717 : vector<64x128xf32>
    %add3A_719 = arith.addf %add3A_691, %max3A_718 : vector<64x128xf32>
    %slice3A_720 = vector.extract_strided_slice %select_n3A {offsets = [0, 100], sizes = [64, 1], strides = [1, 1]} : vector<64x128xf32> to vector<64x1xf32>
    %sub3A_721 = vector.broadcast %slice3A_720 : vector<64x1xf32> to vector<64x128xf32>
    %sub3A_722 = arith.subf %select_n3A_14, %sub3A_721 : vector<64x128xf32>
    %max3A_723 = arith.constant 0.000000e+00 : f32
    %max3A_724 = vector.broadcast %max3A_723 : f32 to vector<64x128xf32>
    %max3A_725 = arith.maximumf %sub3A_722, %max3A_724 : vector<64x128xf32>
    %add3A_726 = arith.addf %add3A_698, %max3A_725 : vector<64x128xf32>
    %slice3A_727 = vector.extract_strided_slice %select_n3A {offsets = [0, 101], sizes = [64, 1], strides = [1, 1]} : vector<64x128xf32> to vector<64x1xf32>
    %sub3A_728 = vector.broadcast %slice3A_727 : vector<64x1xf32> to vector<64x128xf32>
    %sub3A_729 = arith.subf %select_n3A_14, %sub3A_728 : vector<64x128xf32>
    %max3A_730 = arith.constant 0.000000e+00 : f32
    %max3A_731 = vector.broadcast %max3A_730 : f32 to vector<64x128xf32>
    %max3A_732 = arith.maximumf %sub3A_729, %max3A_731 : vector<64x128xf32>
    %add3A_733 = arith.addf %add3A_705, %max3A_732 : vector<64x128xf32>
    %slice3A_734 = vector.extract_strided_slice %select_n3A {offsets = [0, 102], sizes = [64, 1], strides = [1, 1]} : vector<64x128xf32> to vector<64x1xf32>
    %sub3A_735 = vector.broadcast %slice3A_734 : vector<64x1xf32> to vector<64x128xf32>
    %sub3A_736 = arith.subf %select_n3A_14, %sub3A_735 : vector<64x128xf32>
    %max3A_737 = arith.constant 0.000000e+00 : f32
    %max3A_738 = vector.broadcast %max3A_737 : f32 to vector<64x128xf32>
    %max3A_739 = arith.maximumf %sub3A_736, %max3A_738 : vector<64x128xf32>
    %add3A_740 = arith.addf %add3A_712, %max3A_739 : vector<64x128xf32>
    %slice3A_741 = vector.extract_strided_slice %select_n3A {offsets = [0, 103], sizes = [64, 1], strides = [1, 1]} : vector<64x128xf32> to vector<64x1xf32>
    %sub3A_742 = vector.broadcast %slice3A_741 : vector<64x1xf32> to vector<64x128xf32>
    %sub3A_743 = arith.subf %select_n3A_14, %sub3A_742 : vector<64x128xf32>
    %max3A_744 = arith.constant 0.000000e+00 : f32
    %max3A_745 = vector.broadcast %max3A_744 : f32 to vector<64x128xf32>
    %max3A_746 = arith.maximumf %sub3A_743, %max3A_745 : vector<64x128xf32>
    %add3A_747 = arith.addf %add3A_719, %max3A_746 : vector<64x128xf32>
    %slice3A_748 = vector.extract_strided_slice %select_n3A {offsets = [0, 104], sizes = [64, 1], strides = [1, 1]} : vector<64x128xf32> to vector<64x1xf32>
    %sub3A_749 = vector.broadcast %slice3A_748 : vector<64x1xf32> to vector<64x128xf32>
    %sub3A_750 = arith.subf %select_n3A_14, %sub3A_749 : vector<64x128xf32>
    %max3A_751 = arith.constant 0.000000e+00 : f32
    %max3A_752 = vector.broadcast %max3A_751 : f32 to vector<64x128xf32>
    %max3A_753 = arith.maximumf %sub3A_750, %max3A_752 : vector<64x128xf32>
    %add3A_754 = arith.addf %add3A_726, %max3A_753 : vector<64x128xf32>
    %slice3A_755 = vector.extract_strided_slice %select_n3A {offsets = [0, 105], sizes = [64, 1], strides = [1, 1]} : vector<64x128xf32> to vector<64x1xf32>
    %sub3A_756 = vector.broadcast %slice3A_755 : vector<64x1xf32> to vector<64x128xf32>
    %sub3A_757 = arith.subf %select_n3A_14, %sub3A_756 : vector<64x128xf32>
    %max3A_758 = arith.constant 0.000000e+00 : f32
    %max3A_759 = vector.broadcast %max3A_758 : f32 to vector<64x128xf32>
    %max3A_760 = arith.maximumf %sub3A_757, %max3A_759 : vector<64x128xf32>
    %add3A_761 = arith.addf %add3A_733, %max3A_760 : vector<64x128xf32>
    %slice3A_762 = vector.extract_strided_slice %select_n3A {offsets = [0, 106], sizes = [64, 1], strides = [1, 1]} : vector<64x128xf32> to vector<64x1xf32>
    %sub3A_763 = vector.broadcast %slice3A_762 : vector<64x1xf32> to vector<64x128xf32>
    %sub3A_764 = arith.subf %select_n3A_14, %sub3A_763 : vector<64x128xf32>
    %max3A_765 = arith.constant 0.000000e+00 : f32
    %max3A_766 = vector.broadcast %max3A_765 : f32 to vector<64x128xf32>
    %max3A_767 = arith.maximumf %sub3A_764, %max3A_766 : vector<64x128xf32>
    %add3A_768 = arith.addf %add3A_740, %max3A_767 : vector<64x128xf32>
    %slice3A_769 = vector.extract_strided_slice %select_n3A {offsets = [0, 107], sizes = [64, 1], strides = [1, 1]} : vector<64x128xf32> to vector<64x1xf32>
    %sub3A_770 = vector.broadcast %slice3A_769 : vector<64x1xf32> to vector<64x128xf32>
    %sub3A_771 = arith.subf %select_n3A_14, %sub3A_770 : vector<64x128xf32>
    %max3A_772 = arith.constant 0.000000e+00 : f32
    %max3A_773 = vector.broadcast %max3A_772 : f32 to vector<64x128xf32>
    %max3A_774 = arith.maximumf %sub3A_771, %max3A_773 : vector<64x128xf32>
    %add3A_775 = arith.addf %add3A_747, %max3A_774 : vector<64x128xf32>
    %slice3A_776 = vector.extract_strided_slice %select_n3A {offsets = [0, 108], sizes = [64, 1], strides = [1, 1]} : vector<64x128xf32> to vector<64x1xf32>
    %sub3A_777 = vector.broadcast %slice3A_776 : vector<64x1xf32> to vector<64x128xf32>
    %sub3A_778 = arith.subf %select_n3A_14, %sub3A_777 : vector<64x128xf32>
    %max3A_779 = arith.constant 0.000000e+00 : f32
    %max3A_780 = vector.broadcast %max3A_779 : f32 to vector<64x128xf32>
    %max3A_781 = arith.maximumf %sub3A_778, %max3A_780 : vector<64x128xf32>
    %add3A_782 = arith.addf %add3A_754, %max3A_781 : vector<64x128xf32>
    %slice3A_783 = vector.extract_strided_slice %select_n3A {offsets = [0, 109], sizes = [64, 1], strides = [1, 1]} : vector<64x128xf32> to vector<64x1xf32>
    %sub3A_784 = vector.broadcast %slice3A_783 : vector<64x1xf32> to vector<64x128xf32>
    %sub3A_785 = arith.subf %select_n3A_14, %sub3A_784 : vector<64x128xf32>
    %max3A_786 = arith.constant 0.000000e+00 : f32
    %max3A_787 = vector.broadcast %max3A_786 : f32 to vector<64x128xf32>
    %max3A_788 = arith.maximumf %sub3A_785, %max3A_787 : vector<64x128xf32>
    %add3A_789 = arith.addf %add3A_761, %max3A_788 : vector<64x128xf32>
    %slice3A_790 = vector.extract_strided_slice %select_n3A {offsets = [0, 110], sizes = [64, 1], strides = [1, 1]} : vector<64x128xf32> to vector<64x1xf32>
    %sub3A_791 = vector.broadcast %slice3A_790 : vector<64x1xf32> to vector<64x128xf32>
    %sub3A_792 = arith.subf %select_n3A_14, %sub3A_791 : vector<64x128xf32>
    %max3A_793 = arith.constant 0.000000e+00 : f32
    %max3A_794 = vector.broadcast %max3A_793 : f32 to vector<64x128xf32>
    %max3A_795 = arith.maximumf %sub3A_792, %max3A_794 : vector<64x128xf32>
    %add3A_796 = arith.addf %add3A_768, %max3A_795 : vector<64x128xf32>
    %slice3A_797 = vector.extract_strided_slice %select_n3A {offsets = [0, 111], sizes = [64, 1], strides = [1, 1]} : vector<64x128xf32> to vector<64x1xf32>
    %sub3A_798 = vector.broadcast %slice3A_797 : vector<64x1xf32> to vector<64x128xf32>
    %sub3A_799 = arith.subf %select_n3A_14, %sub3A_798 : vector<64x128xf32>
    %max3A_800 = arith.constant 0.000000e+00 : f32
    %max3A_801 = vector.broadcast %max3A_800 : f32 to vector<64x128xf32>
    %max3A_802 = arith.maximumf %sub3A_799, %max3A_801 : vector<64x128xf32>
    %add3A_803 = arith.addf %add3A_775, %max3A_802 : vector<64x128xf32>
    %slice3A_804 = vector.extract_strided_slice %select_n3A {offsets = [0, 112], sizes = [64, 1], strides = [1, 1]} : vector<64x128xf32> to vector<64x1xf32>
    %sub3A_805 = vector.broadcast %slice3A_804 : vector<64x1xf32> to vector<64x128xf32>
    %sub3A_806 = arith.subf %select_n3A_14, %sub3A_805 : vector<64x128xf32>
    %max3A_807 = arith.constant 0.000000e+00 : f32
    %max3A_808 = vector.broadcast %max3A_807 : f32 to vector<64x128xf32>
    %max3A_809 = arith.maximumf %sub3A_806, %max3A_808 : vector<64x128xf32>
    %add3A_810 = arith.addf %add3A_782, %max3A_809 : vector<64x128xf32>
    %slice3A_811 = vector.extract_strided_slice %select_n3A {offsets = [0, 113], sizes = [64, 1], strides = [1, 1]} : vector<64x128xf32> to vector<64x1xf32>
    %sub3A_812 = vector.broadcast %slice3A_811 : vector<64x1xf32> to vector<64x128xf32>
    %sub3A_813 = arith.subf %select_n3A_14, %sub3A_812 : vector<64x128xf32>
    %max3A_814 = arith.constant 0.000000e+00 : f32
    %max3A_815 = vector.broadcast %max3A_814 : f32 to vector<64x128xf32>
    %max3A_816 = arith.maximumf %sub3A_813, %max3A_815 : vector<64x128xf32>
    %add3A_817 = arith.addf %add3A_789, %max3A_816 : vector<64x128xf32>
    %slice3A_818 = vector.extract_strided_slice %select_n3A {offsets = [0, 114], sizes = [64, 1], strides = [1, 1]} : vector<64x128xf32> to vector<64x1xf32>
    %sub3A_819 = vector.broadcast %slice3A_818 : vector<64x1xf32> to vector<64x128xf32>
    %sub3A_820 = arith.subf %select_n3A_14, %sub3A_819 : vector<64x128xf32>
    %max3A_821 = arith.constant 0.000000e+00 : f32
    %max3A_822 = vector.broadcast %max3A_821 : f32 to vector<64x128xf32>
    %max3A_823 = arith.maximumf %sub3A_820, %max3A_822 : vector<64x128xf32>
    %add3A_824 = arith.addf %add3A_796, %max3A_823 : vector<64x128xf32>
    %slice3A_825 = vector.extract_strided_slice %select_n3A {offsets = [0, 115], sizes = [64, 1], strides = [1, 1]} : vector<64x128xf32> to vector<64x1xf32>
    %sub3A_826 = vector.broadcast %slice3A_825 : vector<64x1xf32> to vector<64x128xf32>
    %sub3A_827 = arith.subf %select_n3A_14, %sub3A_826 : vector<64x128xf32>
    %max3A_828 = arith.constant 0.000000e+00 : f32
    %max3A_829 = vector.broadcast %max3A_828 : f32 to vector<64x128xf32>
    %max3A_830 = arith.maximumf %sub3A_827, %max3A_829 : vector<64x128xf32>
    %add3A_831 = arith.addf %add3A_803, %max3A_830 : vector<64x128xf32>
    %slice3A_832 = vector.extract_strided_slice %select_n3A {offsets = [0, 116], sizes = [64, 1], strides = [1, 1]} : vector<64x128xf32> to vector<64x1xf32>
    %sub3A_833 = vector.broadcast %slice3A_832 : vector<64x1xf32> to vector<64x128xf32>
    %sub3A_834 = arith.subf %select_n3A_14, %sub3A_833 : vector<64x128xf32>
    %max3A_835 = arith.constant 0.000000e+00 : f32
    %max3A_836 = vector.broadcast %max3A_835 : f32 to vector<64x128xf32>
    %max3A_837 = arith.maximumf %sub3A_834, %max3A_836 : vector<64x128xf32>
    %add3A_838 = arith.addf %add3A_810, %max3A_837 : vector<64x128xf32>
    %slice3A_839 = vector.extract_strided_slice %select_n3A {offsets = [0, 117], sizes = [64, 1], strides = [1, 1]} : vector<64x128xf32> to vector<64x1xf32>
    %sub3A_840 = vector.broadcast %slice3A_839 : vector<64x1xf32> to vector<64x128xf32>
    %sub3A_841 = arith.subf %select_n3A_14, %sub3A_840 : vector<64x128xf32>
    %max3A_842 = arith.constant 0.000000e+00 : f32
    %max3A_843 = vector.broadcast %max3A_842 : f32 to vector<64x128xf32>
    %max3A_844 = arith.maximumf %sub3A_841, %max3A_843 : vector<64x128xf32>
    %add3A_845 = arith.addf %add3A_817, %max3A_844 : vector<64x128xf32>
    %slice3A_846 = vector.extract_strided_slice %select_n3A {offsets = [0, 118], sizes = [64, 1], strides = [1, 1]} : vector<64x128xf32> to vector<64x1xf32>
    %sub3A_847 = vector.broadcast %slice3A_846 : vector<64x1xf32> to vector<64x128xf32>
    %sub3A_848 = arith.subf %select_n3A_14, %sub3A_847 : vector<64x128xf32>
    %max3A_849 = arith.constant 0.000000e+00 : f32
    %max3A_850 = vector.broadcast %max3A_849 : f32 to vector<64x128xf32>
    %max3A_851 = arith.maximumf %sub3A_848, %max3A_850 : vector<64x128xf32>
    %add3A_852 = arith.addf %add3A_824, %max3A_851 : vector<64x128xf32>
    %slice3A_853 = vector.extract_strided_slice %select_n3A {offsets = [0, 119], sizes = [64, 1], strides = [1, 1]} : vector<64x128xf32> to vector<64x1xf32>
    %sub3A_854 = vector.broadcast %slice3A_853 : vector<64x1xf32> to vector<64x128xf32>
    %sub3A_855 = arith.subf %select_n3A_14, %sub3A_854 : vector<64x128xf32>
    %max3A_856 = arith.constant 0.000000e+00 : f32
    %max3A_857 = vector.broadcast %max3A_856 : f32 to vector<64x128xf32>
    %max3A_858 = arith.maximumf %sub3A_855, %max3A_857 : vector<64x128xf32>
    %add3A_859 = arith.addf %add3A_831, %max3A_858 : vector<64x128xf32>
    %slice3A_860 = vector.extract_strided_slice %select_n3A {offsets = [0, 120], sizes = [64, 1], strides = [1, 1]} : vector<64x128xf32> to vector<64x1xf32>
    %sub3A_861 = vector.broadcast %slice3A_860 : vector<64x1xf32> to vector<64x128xf32>
    %sub3A_862 = arith.subf %select_n3A_14, %sub3A_861 : vector<64x128xf32>
    %max3A_863 = arith.constant 0.000000e+00 : f32
    %max3A_864 = vector.broadcast %max3A_863 : f32 to vector<64x128xf32>
    %max3A_865 = arith.maximumf %sub3A_862, %max3A_864 : vector<64x128xf32>
    %add3A_866 = arith.addf %add3A_838, %max3A_865 : vector<64x128xf32>
    %slice3A_867 = vector.extract_strided_slice %select_n3A {offsets = [0, 121], sizes = [64, 1], strides = [1, 1]} : vector<64x128xf32> to vector<64x1xf32>
    %sub3A_868 = vector.broadcast %slice3A_867 : vector<64x1xf32> to vector<64x128xf32>
    %sub3A_869 = arith.subf %select_n3A_14, %sub3A_868 : vector<64x128xf32>
    %max3A_870 = arith.constant 0.000000e+00 : f32
    %max3A_871 = vector.broadcast %max3A_870 : f32 to vector<64x128xf32>
    %max3A_872 = arith.maximumf %sub3A_869, %max3A_871 : vector<64x128xf32>
    %add3A_873 = arith.addf %add3A_845, %max3A_872 : vector<64x128xf32>
    %slice3A_874 = vector.extract_strided_slice %select_n3A {offsets = [0, 122], sizes = [64, 1], strides = [1, 1]} : vector<64x128xf32> to vector<64x1xf32>
    %sub3A_875 = vector.broadcast %slice3A_874 : vector<64x1xf32> to vector<64x128xf32>
    %sub3A_876 = arith.subf %select_n3A_14, %sub3A_875 : vector<64x128xf32>
    %max3A_877 = arith.constant 0.000000e+00 : f32
    %max3A_878 = vector.broadcast %max3A_877 : f32 to vector<64x128xf32>
    %max3A_879 = arith.maximumf %sub3A_876, %max3A_878 : vector<64x128xf32>
    %add3A_880 = arith.addf %add3A_852, %max3A_879 : vector<64x128xf32>
    %slice3A_881 = vector.extract_strided_slice %select_n3A {offsets = [0, 123], sizes = [64, 1], strides = [1, 1]} : vector<64x128xf32> to vector<64x1xf32>
    %sub3A_882 = vector.broadcast %slice3A_881 : vector<64x1xf32> to vector<64x128xf32>
    %sub3A_883 = arith.subf %select_n3A_14, %sub3A_882 : vector<64x128xf32>
    %max3A_884 = arith.constant 0.000000e+00 : f32
    %max3A_885 = vector.broadcast %max3A_884 : f32 to vector<64x128xf32>
    %max3A_886 = arith.maximumf %sub3A_883, %max3A_885 : vector<64x128xf32>
    %add3A_887 = arith.addf %add3A_859, %max3A_886 : vector<64x128xf32>
    %slice3A_888 = vector.extract_strided_slice %select_n3A {offsets = [0, 124], sizes = [64, 1], strides = [1, 1]} : vector<64x128xf32> to vector<64x1xf32>
    %sub3A_889 = vector.broadcast %slice3A_888 : vector<64x1xf32> to vector<64x128xf32>
    %sub3A_890 = arith.subf %select_n3A_14, %sub3A_889 : vector<64x128xf32>
    %max3A_891 = arith.constant 0.000000e+00 : f32
    %max3A_892 = vector.broadcast %max3A_891 : f32 to vector<64x128xf32>
    %max3A_893 = arith.maximumf %sub3A_890, %max3A_892 : vector<64x128xf32>
    %add3A_894 = arith.addf %add3A_866, %max3A_893 : vector<64x128xf32>
    %slice3A_895 = vector.extract_strided_slice %select_n3A {offsets = [0, 125], sizes = [64, 1], strides = [1, 1]} : vector<64x128xf32> to vector<64x1xf32>
    %sub3A_896 = vector.broadcast %slice3A_895 : vector<64x1xf32> to vector<64x128xf32>
    %sub3A_897 = arith.subf %select_n3A_14, %sub3A_896 : vector<64x128xf32>
    %max3A_898 = arith.constant 0.000000e+00 : f32
    %max3A_899 = vector.broadcast %max3A_898 : f32 to vector<64x128xf32>
    %max3A_900 = arith.maximumf %sub3A_897, %max3A_899 : vector<64x128xf32>
    %add3A_901 = arith.addf %add3A_873, %max3A_900 : vector<64x128xf32>
    %slice3A_902 = vector.extract_strided_slice %select_n3A {offsets = [0, 126], sizes = [64, 1], strides = [1, 1]} : vector<64x128xf32> to vector<64x1xf32>
    %sub3A_903 = vector.broadcast %slice3A_902 : vector<64x1xf32> to vector<64x128xf32>
    %sub3A_904 = arith.subf %select_n3A_14, %sub3A_903 : vector<64x128xf32>
    %max3A_905 = arith.constant 0.000000e+00 : f32
    %max3A_906 = vector.broadcast %max3A_905 : f32 to vector<64x128xf32>
    %max3A_907 = arith.maximumf %sub3A_904, %max3A_906 : vector<64x128xf32>
    %add3A_908 = arith.addf %add3A_880, %max3A_907 : vector<64x128xf32>
    %slice3A_909 = vector.extract_strided_slice %select_n3A {offsets = [0, 127], sizes = [64, 1], strides = [1, 1]} : vector<64x128xf32> to vector<64x1xf32>
    %sub3A_910 = vector.broadcast %slice3A_909 : vector<64x1xf32> to vector<64x128xf32>
    %sub3A_911 = arith.subf %select_n3A_14, %sub3A_910 : vector<64x128xf32>
    %max3A_912 = arith.constant 0.000000e+00 : f32
    %max3A_913 = vector.broadcast %max3A_912 : f32 to vector<64x128xf32>
    %max3A_914 = arith.maximumf %sub3A_911, %max3A_913 : vector<64x128xf32>
    %add3A_915 = arith.addf %add3A_887, %max3A_914 : vector<64x128xf32>
    %add3A_916 = arith.addf %add3A_894, %add3A_901 : vector<64x128xf32>
    %add3A_917 = arith.addf %add3A_916, %add3A_908 : vector<64x128xf32>
    %add3A_918 = arith.addf %add3A_917, %add3A_915 : vector<64x128xf32>
    %reduce_sum3A = vector.shape_cast %add3A_918 : vector<64x128xf32> to vector<1x64x128xf32>
    %reduce_sum3A_919 = arith.constant dense<0.000000e+00> : vector<1xf32>
    %reduce_sum3A_920 = vector.multi_reduction <add>, %reduce_sum3A, %reduce_sum3A_919 [1, 2] : vector<1x64x128xf32> to vector<1xf32>
    %reduce_sum3A_921 = vector.shape_cast %reduce_sum3A_920 : vector<1xf32> to vector<1x1x1xf32>
    %reduce_sum3A_922 = vector.extract %reduce_sum3A_921[0, 0, 0] : f32 from vector<1x1x1xf32>
    %convert_element_type3A = arith.extui %eq3A_6 : vector<64x128xi1> to vector<64x128xi32>
    %convert_element_type3A_923 = arith.sitofp %convert_element_type3A : vector<64x128xi32> to vector<64x128xf32>
    %reduce_sum3A_924 = arith.constant dense<0.000000e+00> : vector<64xf32>
    %reduce_sum3A_925 = vector.multi_reduction <add>, %convert_element_type3A_923, %reduce_sum3A_924 [1] : vector<64x128xf32> to vector<64xf32>
    %convert_element_type3A_926 = arith.extui %eq3A_9 : vector<64x128xi1> to vector<64x128xi32>
    %convert_element_type3A_927 = arith.sitofp %convert_element_type3A_926 : vector<64x128xi32> to vector<64x128xf32>
    %reduce_sum3A_928 = arith.constant dense<0.000000e+00> : vector<64xf32>
    %reduce_sum3A_929 = vector.multi_reduction <add>, %convert_element_type3A_927, %reduce_sum3A_928 [1] : vector<64x128xf32> to vector<64xf32>
    %mul3A = arith.mulf %reduce_sum3A_925, %reduce_sum3A_929 : vector<64xf32>
    %reduce_sum3A_930 = vector.shape_cast %mul3A : vector<64xf32> to vector<1x64xf32>
    %reduce_sum3A_931 = arith.constant dense<0.000000e+00> : vector<1xf32>
    %reduce_sum3A_932 = vector.multi_reduction <add>, %reduce_sum3A_930, %reduce_sum3A_931 [1] : vector<1x64xf32> to vector<1xf32>
    %reduce_sum3A_933 = vector.shape_cast %reduce_sum3A_932 : vector<1xf32> to vector<1x1xf32>
    %reduce_sum3A_934 = vector.extract %reduce_sum3A_933[0, 0] : f32 from vector<1x1xf32>
    %swap3A = arith.constant 0 : index
    %swap3A_935 = arith.constant 0 : index
    %swap3A_936 = arith.constant 0 : index
    %swap3A_937 = memref.load %arg3[%swap3A, %swap3A_935, %swap3A_936] : memref<1x1x1xf32, #tpu.memory_space<smem>>
    memref.store %reduce_sum3A_922, %arg3[%swap3A, %swap3A_935, %swap3A_936] : memref<1x1x1xf32, #tpu.memory_space<smem>>
    %swap3A_938 = arith.constant 0 : index
    %swap3A_939 = arith.constant 0 : index
    %swap3A_940 = arith.constant 0 : index
    %swap3A_941 = memref.load %arg4[%swap3A_938, %swap3A_939, %swap3A_940] : memref<1x1x1xf32, #tpu.memory_space<smem>>
    memref.store %reduce_sum3A_934, %arg4[%swap3A_938, %swap3A_939, %swap3A_940] : memref<1x1x1xf32, #tpu.memory_space<smem>>
    return
  }
  func.func @transform_0(%arg0: i32) -> (i32, i32) {
    %add3A = arith.constant 8 : i32
    %add3A_0 = arith.addi %add3A, %arg0 : i32
    %c0_i32 = arith.constant 0 : i32
    %c0_i32_1 = arith.constant 0 : i32
    return %add3A_0, %c0_i32 : i32, i32
  }
  func.func @transform_1(%arg0: i32) -> (i32, i32) {
    %add3A = arith.constant 8 : i32
    %add3A_0 = arith.addi %add3A, %arg0 : i32
    %c0_i32 = arith.constant 0 : i32
    %c0_i32_1 = arith.constant 0 : i32
    return %add3A_0, %c0_i32 : i32, i32
  }
  func.func @transform_2(%arg0: i32) -> (i32, i32, i32) {
    %c0_i32 = arith.constant 0 : i32
    %c0_i32_0 = arith.constant 0 : i32
    %c0_i32_1 = arith.constant 0 : i32
    return %arg0, %c0_i32, %c0_i32_0 : i32, i32, i32
  }
  func.func @transform_3(%arg0: i32) -> (i32, i32, i32) {
    %c0_i32 = arith.constant 0 : i32
    %c0_i32_0 = arith.constant 0 : i32
    %c0_i32_1 = arith.constant 0 : i32
    return %arg0, %c0_i32, %c0_i32_0 : i32, i32, i32
  }
}

</mosaic_0001>

<sc_bundles>
// kernel: kernel.5.cloned.1.call-start
scs
__scs_entry_jumppad:
0x0: {  	(pc) =	sbr.rel $0x88, $3  }
0x1: {  	(tag) =	ssettag $0x0;
	lr =	simm.s32 $0x1  }
0x2: {  	[smem:$0x3F9F] =	sst lr;
	_ =	strace $0xD0000000  }
0x3: {  	_ = 	snop  }
0x4: {  	_ = 	snop  }
0x5: {  	_ = 	snop  }
0x6: {  	_ = 	snop  }
0x7: {  	_ = 	snop  }
__scs_overlays_trampoline_lowered:
0x8: {  	[smem:$0x3FAE] =	sst s0  }
0x9: {  	[smem:$0x3FAF] =	sst s1  }
0xa: {  	[smem:$0x3FB0] =	sst s2  }
0xb: {  	[smem:$0x3FB1] =	sst s3  }
0xc: {  	[smem:$0x3FB2] =	sst s4  }
0xd: {  	[smem:$0x3FB3] =	sst s5  }
0xe: {  	[smem:$0x3FB4] =	sst s6  }
0xf: {  	[smem:$0x3FB5] =	sst s7  }
0x10: {  	[smem:$0x3FB6] =	sst s8  }
0x11: {  	[smem:$0x3FB7] =	sst s9;
	s0 =	simm.s32 @!p0 $0x0  }
0x12: {  	s1 =	sld [smem:$0x3F9D];
	s0 =	simm.s32 @p0 $0x1  }
0x13: {  	[smem:$0x3FB8] =	sst s0;
	s0 =	simm.s32 @!p1 $0x0  }
0x14: {  	s2 =	sld [smem:$0x3F9C];
	s0 =	simm.s32 @p1 $0x1  }
0x15: {  	[smem:$0x3FB9] =	sst s0;
	s0 =	simm.s32 @!p2 $0x0  }
0x16: {  	s3 =	sld [smem:$0x3FDB];
	s0 =	simm.s32 @p2 $0x1  }
0x17: {  	s4 =	simm.s32 $0x1BF5;
	[smem:$0x3FBB] =	sst s0  }
0x18: {  	s0 =	sld [smem:$0x3F9E];
	_ =	swait.ge [sflag:s4], $0x0  }
0x19: {  	s7 =	sld [smem:$0x3F9F]  }
0x1a: {  	s8 =	sadd.s32 $0xFFFFE003, lr  }
0x1b: {  	s9 =	sadd.s32 $0xFFFFFEF7, lr;
	s5 =	simm.s32 $0xFFFFFFFF;
	p2 =	slt.u32 s8, $0xFFFFF086  }
0x1c: {  	p1 =	slt.u32 s9, $0xF7A;
	s5 =	simm.s32 @!p2 $0x0  }
0x1d: {  	s5 =	simm.s32 @p1 $0x1;
	p0 =	seq.s32 s7, s2  }
0x1e: {  	s7 =	smul.u32 @!p0 $0xF7A, s2;
	p2 =	seq.s32 @!p0 s5, $0x0  }
0x1f: {  	s9 =	smul.u32 $0xF7A, s1;
	s8 =	simm.s32 @!p0 $0x1BF5;
	p2 =	por !p2, p0  }
0x20: {  	[sflag:s8] =	ssyncset.s32 @!p0 $0xFFFFF086;
	s6 =	sadd.s32 @!p0 s3, s7;
	s7 =	simm.s32 @!p0 $0x108  }
0x21: {  	s3 =	sadd.s32 s3, s9;
	s6 =	sadd.s32 @!p0 $0x88, s6;
	s7 =	simm.s32 @p2 $0x1082  }
0x22: {  	[simem:s7], [sflag:s8] =	dma.local @!p0 [hbm:s6], $0xF7A  }
0x23: {  	s9 =	sor.u32 $0xD0000000, s2;
	s6 =	simm.s32 $0x108;
	_ =	swait.ge @!p0 [sflag:s8], $0x0  }
0x24: {  	s3 =	sadd.s32 $0x88, s3;
	s6 =	simm.s32 @!p1 $0x1082;
	[sflag:s4] =	ssyncset.s32 $0xFFFFF086  }
0x25: {  	[simem:s6], [sflag:s4] =	dma.local [hbm:s3], $0xF7A  }
0x26: {  	[smem:$0x3F9F] =	sst s1;
	(tag) =	ssettag s2;
	_ =	strace s9  }
0x27: {  	s1 =	sld [smem:$0x3FAF]  }
0x28: {  	s2 =	sld [smem:$0x3FB0]  }
0x29: {  	s4 =	sld [smem:$0x3FB2]  }
0x2a: {  	p0 =	seq.s32 s5, $0x0;
	s5 =	sld [smem:$0x3FB3]  }
0x2b: {  	s6 =	sld [smem:$0x3FB4]  }
0x2c: {  	s7 =	sld [smem:$0x3FB5]  }
0x2d: {  	s3 =	simm.s32 $0x108;
	s8 =	sld [smem:$0x3FB6]  }
0x2e: {  	s3 =	simm.s32 @!p0 $0x1082;
	s9 =	sld [smem:$0x3FB7]  }
0x2f: {  	lr =	sadd.s32 s0, s3;
	s0 =	sld [smem:$0x3FAE]  }
0x30: {  	s3 =	sld [smem:$0x3FB1]  }
0x31: {  	[smem:$0x3FBA] =	sst s10  }
0x32: {  	s10 =	sld [smem:$0x3FB8];
	_ =	sdelay $0x3  }
0x33: {  	p0 =	seq.s32 s10, $0x1;
	s10 =	sld [smem:$0x3FBA];
	_ =	sdelay $0x3  }
0x34: {  	[smem:$0x3FBA] =	sst s10  }
0x35: {  	s10 =	sld [smem:$0x3FB9];
	_ =	sdelay $0x3  }
0x36: {  	p1 =	seq.s32 s10, $0x1;
	s10 =	sld [smem:$0x3FBA];
	_ =	sdelay $0x3  }
0x37: {  	[smem:$0x3FBA] =	sst s10  }
0x38: {  	s10 =	sld [smem:$0x3FBB]  }
0x39: {  	_ = 	snop;
	(pc) =	sbr.ind lr, $3  }
0x3a: {  	_ = 	snop  }
0x3b: {  	_ = 	snop  }
0x3c: {  	p2 =	seq.s32 s10, $0x1;
	s10 =	sld [smem:$0x3FBA]  }
0x3d: {  	_ =	shalt  }
0x3e: {  	_ =	shalt  }
0x3f: {  	_ =	shalt  }
0x40: {  	_ =	shalt  }
0x41: {  	_ =	shalt  }
0x42: {  	_ =	shalt  }
0x43: {  	_ =	shalt  }
0x44: {  	_ =	shalt  }
0x45: {  	_ =	shalt  }
0x46: {  	_ =	shalt  }
0x47: {  	_ =	shalt  }
0x48: {  	_ =	shalt  }
0x49: {  	_ =	shalt  }
0x4a: {  	_ =	shalt  }
0x4b: {  	_ =	shalt  }
0x4c: {  	_ =	shalt  }
0x4d: {  	_ =	shalt  }
0x4e: {  	_ =	shalt  }
0x4f: {  	_ =	shalt  }
0x50: {  	_ =	shalt  }
0x51: {  	_ =	shalt  }
0x52: {  	_ =	shalt  }
0x53: {  	_ =	shalt  }
0x54: {  	_ =	shalt  }
0x55: {  	_ =	shalt  }
0x56: {  	_ =	shalt  }
0x57: {  	_ =	shalt  }
0x58: {  	_ =	shalt  }
0x59: {  	_ =	shalt  }
0x5a: {  	_ =	shalt  }
0x5b: {  	_ =	shalt  }
0x5c: {  	_ =	shalt  }
0x5d: {  	_ =	shalt  }
0x5e: {  	_ =	shalt  }
0x5f: {  	_ =	shalt  }
0x60: {  	_ =	shalt  }
0x61: {  	_ =	shalt  }
0x62: {  	_ =	shalt  }
0x63: {  	_ =	shalt  }
0x64: {  	_ =	shalt  }
0x65: {  	_ =	shalt  }
0x66: {  	_ =	shalt  }
0x67: {  	_ =	shalt  }
0x68: {  	_ =	shalt  }
0x69: {  	_ =	shalt  }
0x6a: {  	_ =	shalt  }
0x6b: {  	_ =	shalt  }
0x6c: {  	_ =	shalt  }
0x6d: {  	_ =	shalt  }
0x6e: {  	_ =	shalt  }
0x6f: {  	_ =	shalt  }
0x70: {  	_ =	shalt  }
0x71: {  	_ =	shalt  }
0x72: {  	_ =	shalt  }
0x73: {  	_ =	shalt  }
0x74: {  	_ =	shalt  }
0x75: {  	_ =	shalt  }
0x76: {  	_ =	shalt  }
0x77: {  	_ =	shalt  }
0x78: {  	_ =	shalt  }
0x79: {  	_ =	shalt  }
0x7a: {  	_ =	shalt  }
0x7b: {  	_ =	shalt  }
0x7c: {  	_ =	shalt  }
0x7d: {  	_ =	shalt  }
0x7e: {  	_ =	shalt  }
0x7f: {  	_ =	shalt  }
0x80: {  	_ =	shalt  }
0x81: {  	_ =	shalt  }
0x82: {  	_ =	shalt  }
0x83: {  	_ =	shalt  }
0x84: {  	_ =	shalt  }
0x85: {  	_ =	shalt  }
0x86: {  	_ =	shalt  }
0x87: {  	_ =	shalt  }
.Lfunc_end0:
.L_simem_size_0:
called_computation_lowered:
.L_overlay_start_0:
0x88: {  	s2 =	sld [smem:$0x3FD9]  }
0x89: {  	s3 =	sld [smem:$0x3FFE];
	_ =	sdelay $0x1  }
0x8a: {  	s1 =	srdreg.scid  }
0x8b: {  	s0 =	sand.u32 $0x1, s1  }
0x8c: {  	s17 =	sshll.u32 s0, $0xA;
	s2 =	sadd.s32 s3, s2  }
0x8d: {  	s2 =	sadd.s32 s2, s17  }
0x8e: {  	[smem:$0x3FC6] =	sst s2  }
0x8f: {  	_ = 	snop  }
0x90: {  	s2 =	sld [smem:$0x3FC9]  }
0x91: {  	s18 =	sld [smem:$0x3FC8];
	(tm) =	ssettm $0x1  }
0x92: {  	s4 =	sld [smem:$0x3FFB];
	_ =	sdelay $0x3  }
0x93: {  	_ =	strace s4  }
0x94: {  	s4 =	sld [smem:$0x3FFC];
	_ =	sdelay $0x3  }
0x95: {  	_ =	strace s4  }
0x96: {  	s4 =	sld [smem:$0x3FFD];
	_ =	sdelay $0x3  }
0x97: {  	_ =	strace s4  }
0x98: {  	_ =	strace $0x8FFFFFFF  }
0x99: {  	s19 =	sld [smem:$0x3FDB];
	_ =	sdelay $0x1  }
0x9a: {  	s5 =	simm.s32 $_scs_section_size  }
0x9b: {  	s6 =	simm.s32 $_size__tile_overlayer_lowered;
	s7 =	simm.s32 $_tile_overlayer_lowered  }
0x9c: {  	s22 =	simm.s32 $0x1BFF;
	s21 =	sshll.u32 s7, $0x1;
	s4 =	sadd.s32 s5, s19  }
0x9d: {  	s8 =	simm.s32 $0x0;
	s20 =	sshll.u32 s6, $0x1;
	s6 =	sadd.s32 s21, s4  }
0x9e: {  	[timem:s8], [sflag:s22] =	dma.local [hbm:s6], s20  }
0x9f: {  	_ =	swait.ge [sflag:s22], s20  }
0xa0: {  	s5 =	ssub.s32 $0x0, s20;
	[sflag:s22] =	ssyncset.done $0x0  }
0xa1: {  	[sflag:s22] =	ssyncadd.s32 s5;
	_ =	sdelay $0x1  }
0xa2: {  	s23 =	simm.s32 $0x1B8B  }
0xa3: {  	_ =	swait.ge [sflag:s23], $0x1  }
0xa4: {  	[sflag:s23] =	ssyncset.done $0x0  }
0xa5: {  	s25 =	simm.s32 $0x1B8E;
	s24 =	sld [smem:$0x3FFE];
	[sflag:s23] =	ssyncadd.s32 $0xFFFFFFFF  }
0xa6: {  	s26 =	simm.s32 $execute0_lowered;
	[smem:$0x3FD2] =	sst s25  }
0xa7: {  	s6 =	sshll.u32 s26, $0x1;
	_ =	strace $0x80000046;
	[dreg:$0x1] =	wrdreg $0xFFFFFFFF  }
0xa8: {  	s28 =	simm.s32 $_size_execute0_lowered;
	s4 =	sadd.s32 s4, s6;
	[dreg:$0x0] =	wrdreg $0x0  }
0xa9: {  	s6 =	sshll.u32 s28, $0x1;
	[dreg:$0x2] =	wrdreg s4  }
0xaa: {  	[dreg:$0x3] =	wrdreg s6  }
0xab: {  	[dreg:$0x4] =	wrdreg $0xC0  }
0xac: {  	_ =	task [dreg:s8], $0x5FFFF  }
0xad: {  	[dreg:$0x1] =	wrdreg $0xFFFFFFFF  }
0xae: {  	[dreg:$0x0] =	wrdreg $0x60  }
0xaf: {  	[dreg:$0x2] =	wrdreg s2  }
0xb0: {  	[dreg:$0x3] =	wrdreg s18  }
0xb1: {  	[dreg:$0x4] =	wrdreg s24  }
0xb2: {  	[dreg:$0x5] =	wrdreg $0x9  }
0xb3: {  	_ =	task.clear_ibuf [dreg:s8], $0x6FFFF;
	_ =	strace $0x90000046  }
0xb4: {  	s29 =	simm.s32 $0x9;
	_ =	strace $0x80000048  }
0xb5: {  	_ =	swait.ge [sflag:s29], $0x1  }
0xb6: {  	[sflag:s29] =	ssyncadd.s32 $0xFFFFFFFF  }
0xb7: {  	_ =	strace $0x90000048  }
0xb8: {  	_ =	sfence  }
0xb9: {  	s30 =	sld [smem:$0x0];
	_ =	sdelay $0x2  }
0xba: {  	s31 =	sshll.u32 s1, $0xD;
	s1 =	sshrl.u32 s1, $0x2  }
0xbb: {  	s3 =	sand.u32 $0x4000, s31;
	s1 =	sadd.s32 s1, s30  }
0xbc: {  	s0 =	sor.u32 s3, s0;
	s1 =	sshll.u32 s1, $0x11  }
0xbd: {  	s0 =	sor.u32 s1, s0  }
0xbe: {  	s0 =	sadd.s32 $0x8F2B, s0  }
0xbf: {  	[sflag:s0] =	ssyncadd.remote.s32 $0x1  }
0xc0: {  	_ =	sfence.sel $0xFFFF  }
0xc1: {  	[dreg:$0x0] =	wrdreg $0xFFFFFFFF;
	(pc) =	sbr.abs _section_cstart, $3  }
0xc2: {  	[dreg:$0x1] =	wrdreg $0xFFFFFFFF  }
0xc3: {  	_ =	task.clear_ibuf [dreg:s8], $0x2FFFF;
	_ =	strace $0x9FFFFFFF  }
0xc4: {  	(tm) =	ssettm $0x7FFFFFFF  }
0xc5: {  	_ =	shalt  }
tec
execute0_lowered:
.L_overlay_start_1:
0x0: {  	(tag) =	ssettag $0x1  }
0x1: {  	s3 =	rddreg [dreg:$0x0]  }
0x2: {  	s4 =	rddreg [dreg:$0x1]  }
0x3: {  	s5 =	rddreg [dreg:$0x2]  }
0x4: {  	s0 =	rddreg [dreg:$0x3]  }
0x5: {  	s2 =	simm.s32 $0x0;
	s6 =	srdreg.scid;
	s1 =	stileid.u32  }
0x6: {  	s10 =	simm.s32 $0x2000;
	s11 =	simm.s32 $0x2080;
	s12 =	simm.s32 $0x0  }
0x7: {  	[smem:$0x7FF] =	sst s2;
	s6 =	sand.u32 $0x1, s6;
	s7 =	sshll.u32 s1, $0x1  }
0x8: {  	_ =	strace $0x80000047;
	s7 =	sor.u32 s6, s7;
	s6 =	ssub.s32 $0x2, s6  }
0x9: {  	s8 =	sshll.u32 s7, $0x1;
	s9 =	sshrl.u32 s6, $0x1;
	s7 =	sshll.u32 s7, $0x8  }
0xa: {  	s8 =	sadd.s32 s8, s5;
	s9 =	ssub.s32 s6, s9;
	s3 =	sadd.s32 s3, s7  }
0xb: {  	v0 =	vlaneseq.u32;
	s4 =	sadd.s32 s4, s7;
	s5 =	sadd.s32 $0x1400, s8;
	s6 =	sadd.s32 $0x1200, s8  }
0xc: {  	v0 =	vmul.u32 $0x80, v0;
	s7 =	smax.u32 s9, $0x1;
	s8 =	simm.s32 $0x1;
	s9 =	simm.s32 $0x800  }
.LBB2_1:
0xd: {  	[tilespmem:s2], [sflag:$0x1] =	stream.linear.gather [hbm4b:s3+s2], $0x800, $0x38;
	[tilespmem:$0x2100] =	vst v63  }
0xe: {  	_ =	swait.ge [sflag:s8], $0x800  }
0xf: {  	[sflag:s8] =	ssyncset.done $0x0  }
0x10: {  	v1 =	vor.u32 s2, v0;
	[sflag:s8] =	ssyncadd.s32 $0xFFFFF800  }
0x11: {  	[tilespmem:s9], [sflag:$0x1] =	stream.linear.gather [hbm4b:s4+s2], $0x800, $0x38;
	[tilespmem:$0x2100] =	vst v63  }
0x12: {  	_ =	swait.ge [sflag:s8], $0x800  }
0x13: {  	[sflag:s8] =	ssyncset.done $0x0  }
0x14: {  	[sflag:s8] =	ssyncadd.s32 $0xFFFFF800  }
0x15: {  	v2 =	vld.idx.msk [tilespmem:v1+s2+$0x0], $0xffff  }
0x16: {  	v1 =	vld.idx.msk [tilespmem:v1+s9+$0x0], $0xffff;
	_ =	sdelay $0x2  }
0x17: {  	s13 =	simm.s32 $0x1  }
0x18: {  	v3 =	vor.u32 s13, v0  }
0x19: {  	vm0 =	veq.s32 v1, $0x1;
	v4 =	vadd.f32 $1.000000000e+00, v2  }
0x1a: {  	s14 =	simm.s32 $0x1000;
	vm1 =	veq.s32 v1, $0x0;
	v1 =	vnsel vm0, $0x7F800000, v2  }
0x1b: {  	s15 =	simm.s32 $0x1800;
	[tilespmem:s14+$0x0] =	vst v1;
	v1 =	vnsel vm1, $0xFF800000, v4  }
0x1c: {  	[tilespmem:s15+$0x0] =	vst v1  }
0x1d: {  	v5 =	vld.idx.msk [tilespmem:v3+s2+$0x0], $0xffff  }
0x1e: {  	v6 =	vld.idx.msk [tilespmem:v3+s9+$0x0], $0xffff;
	_ =	sdelay $0x1  }
0x1f: {  	v3 =	vimm.f32 $0.0e+00  }
0x20: {  	s31 =	simm.s32 $0x2;
	v1 =	vsel vm0, $0x3F800000, v3;
	v4 =	vsel vm1, $0x3F800000, v3  }
0x21: {  	v2 =	vadd.f32 v1, v3;
	v1 =	vadd.f32 v4, v3;
	v4 =	vor.u32 s31, v0  }
0x22: {  	s16 =	simm.s32 $0x3;
	vm1 =	veq.s32 v6, $0x1;
	vm0 =	veq.s32 v6, $0x0;
	v6 =	vadd.f32 $1.000000000e+00, v5  }
.LBB2_2:
0x23: {  	p0 =	sne.s32 s16, $0x7F;
	v5 =	vnsel vm1, $0x7F800000, v5;
	v7 =	vsel vm1, $0x3F800000, v3;
	v8 =	vsel vm0, $0x3F800000, v3;
	s14 =	sadd.s32 $0x10, s14  }
0x24: {  	s15 =	sadd.s32 $0x10, s15;
	[tilespmem:s14+$0x0] =	vst v5;
	v5 =	vnsel vm0, $0xFF800000, v6;
	v2 =	vadd.f32 v7, v2;
	v1 =	vadd.f32 v8, v1  }
0x25: {  	s13 =	simm.s32 $0x0;
	[tilespmem:s15+$0x0] =	vst v5  }
0x26: {  	v5 =	vld.idx.msk [tilespmem:v4+s13+$0x0], $0xffff  }
0x27: {  	v6 =	vld.idx.msk [tilespmem:v4+s9+$0x0], $0xffff;
	_ =	sdelay $0x1  }
.Ltmp0:
0x28: {  	(pc) =	sbr.rel @p0 .LBB2_2-.Ltmp0, $3  }
0x29: {  	_ =	sdelay $0x1  }
0x2a: {  	v4 =	vor.u32 s16, v0  }
0x2b: {  	s16 =	sadd.s32 $0x1, s16;
	vm1 =	veq.s32 v6, $0x1;
	vm0 =	veq.s32 v6, $0x0;
	v6 =	vadd.f32 $1.000000000e+00, v5  }
0x2c: {  	_ = 	snop  }
0x2d: {  	v5 =	vnsel vm1, $0x7F800000, v5;
	s14 =	sadd.s32 $0x10, s14  }
0x2e: {  	s15 =	sadd.s32 $0x10, s15;
	[tilespmem:s14+$0x0] =	vst v5;
	v5 =	vnsel vm0, $0xFF800000, v6  }
0x2f: {  	[tilespmem:s15+$0x0] =	vst v5  }
0x30: {  	v5 =	vld.idx.msk [tilespmem:v4+s13+$0x0], $0xffff  }
0x31: {  	v4 =	vld.idx.msk [tilespmem:v4+s9+$0x0], $0xffff;
	_ =	sdelay $0x1  }
0x32: {  	v62 =	vsel vm1, $0x3F800000, v3;
	v7 =	vsel vm0, $0x3F800000, v3  }
0x33: {  	v30 =	vimm.f32 $0.0e+00;
	v35 =	vimm.f32 $0.0e+00;
	v20 =	vimm.f32 $0.0e+00  }
0x34: {  	v21 =	vimm.f32 $0.0e+00;
	v31 =	vimm.f32 $0.0e+00;
	v25 =	vimm.f32 $0.0e+00  }
0x35: {  	v2 =	vadd.f32 v62, v2;
	vm14 =	veq.s32 v4, $0x1;
	v63 =	vadd.f32 $1.000000000e+00, v5  }
0x36: {  	v7 =	vadd.f32 v7, v1;
	s14 =	sadd.s32 $0x10, s14;
	vm15 =	veq.s32 v4, $0x0;
	v4 =	vnsel vm14, $0x7F800000, v5  }
0x37: {  	s31 =	sadd.s32 $0x10, s15;
	v1 =	vsel vm14, $0x3F800000, v3;
	v5 =	vsel vm15, $0x3F800000, v3;
	v6 =	vnsel vm15, $0xFF800000, v63;
	[tilespmem:s14+$0x0] =	vst v4  }
0x38: {  	v28 =	vimm.f32 $0.0e+00;
	v1 =	vadd.f32 v1, v2;
	v2 =	vadd.f32 v5, v7;
	[tilespmem:s31+$0x0] =	vst v6  }
.LBB2_4:
0x39: {  	s15 =	simm.s32 $0x0  }
0x3a: {  	v8 =	vld [tilespmem:s15+$0x1830]  }
0x3b: {  	v19 =	vld [tilespmem:s15+$0x1800]  }
0x3c: {  	s14 =	sshll.u32 s13, $0x7;
	v34 =	vld [tilespmem:s15+$0x1810]  }
0x3d: {  	s14 =	sand.u32 $0x3FFFFF80, s14;
	v42 =	vld [tilespmem:s15+$0x1820]  }
0x3e: {  	v6 =	vld [tilespmem:s14+$0x1000]  }
0x3f: {  	v7 =	vld [tilespmem:s14+$0x1040]  }
0x40: {  	v13 =	vld [tilespmem:s14+$0x1060]  }
0x41: {  	v14 =	vld [tilespmem:s14+$0x1070]  }
0x42: {  	v9 =	vld [tilespmem:s14+$0x1010]  }
0x43: {  	v15 =	vld [tilespmem:s14+$0x1030]  }
0x44: {  	v17 =	vld [tilespmem:s14+$0x1050]  }
0x45: {  	v18 =	vld [tilespmem:s14+$0x1020];
	v4 =	vsub.f32 v8, v7;
	v10 =	vsub.f32 v19, v6  }
0x46: {  	v5 =	vsub.f32 v8, v14;
	v11 =	vsub.f32 v34, v13  }
0x47: {  	v12 =	vsub.f32 v42, v9;
	v16 =	vsub.f32 v19, v9  }
0x48: {  	v22 =	vsub.f32 v34, v15;
	v33 =	vsub.f32 v19, v13  }
0x49: {  	v26 =	vsub.f32 v8, v17;
	v37 =	vsub.f32 v34, v7  }
0x4a: {  	v38 =	vsub.f32 v34, v17;
	v44 =	vsub.f32 v42, v18  }
0x4b: {  	v36 =	vsub.f32 v8, v15;
	v39 =	vsub.f32 v19, v17  }
0x4c: {  	v41 =	vsub.f32 v42, v6;
	v63 =	vsub.f32 v19, v18  }
0x4d: {  	v43 =	vsub.f32 v34, v18;
	v45 =	vsub.f32 v34, v6;
	v29 =	vmax.f32 v10, $0.0e+00  }
0x4e: {  	v10 =	vsub.f32 v34, v9;
	v32 =	vmax.f32 v11, $0.0e+00;
	v23 =	vmax.f32 v16, $0.0e+00  }
0x4f: {  	v11 =	vsub.f32 v42, v14;
	v16 =	vmax.f32 v22, $0.0e+00;
	v22 =	vsub.f32 v8, v13  }
0x50: {  	v12 =	vmax.f32 v12, $0.0e+00;
	v26 =	vmax.f32 v26, $0.0e+00;
	v33 =	vmax.f32 v33, $0.0e+00  }
0x51: {  	v62 =	vmax.f32 v39, $0.0e+00;
	v38 =	vmax.f32 v38, $0.0e+00;
	v30 =	vadd.f32 v33, v30  }
0x52: {  	v39 =	vmax.f32 v63, $0.0e+00;
	v40 =	vadd.f32 v62, v35;
	v33 =	vsub.f32 v8, v9  }
0x53: {  	v43 =	vmax.f32 v43, $0.0e+00;
	v35 =	vsub.f32 v19, v15;
	v46 =	vadd.f32 v39, v31  }
0x54: {  	p0 =	por $0x1, $0x1;
	v44 =	vmax.f32 v44, $0.0e+00;
	v39 =	vsub.f32 v42, v15;
	v31 =	vsub.f32 v42, v13  }
.Ltmp1:
0x55: {  	v24 =	vmax.f32 v10, $0.0e+00;
	v10 =	vsub.f32 v8, v18;
	v22 =	vmax.f32 v22, $0.0e+00;
	(pc) =	sbr.rel @!p0 .LBB2_6-.Ltmp1, $4  }
0x56: {  	v30 =	vadd.f32 v32, v30;
	v32 =	vadd.f32 v29, v28;
	v29 =	vmax.f32 v41, $0.0e+00  }
0x57: {  	v41 =	vsub.f32 v34, v14;
	v28 =	vmax.f32 v37, $0.0e+00;
	v34 =	vsub.f32 v42, v7  }
0x58: {  	v27 =	vmax.f32 v10, $0.0e+00;
	v10 =	vmax.f32 v36, $0.0e+00;
	v36 =	vsub.f32 v42, v17  }
0x59: {  	s14 =	simm.s32 $0x100;
	v37 =	vmax.f32 v45, $0.0e+00;
	v43 =	vadd.f32 v43, v46;
	v42 =	vsub.f32 v19, v14  }
.LBB2_5:
0x5a: {  	s15 =	sshra.s32 s14, $0x2;
	p0 =	sne.s32 s14, $0x1F00;
	s14 =	sadd.s32 $0x100, s14;
	v45 =	vsub.f32 v19, v7;
	v19 =	vadd.f32 v38, v40;
	v36 =	vmax.f32 v36, $0.0e+00  }
0x5b: {  	v38 =	vmax.f32 v41, $0.0e+00;
	v41 =	vsub.f32 v8, v6;
	v40 =	vadd.f32 v44, v43;
	v8 =	vld [tilespmem:s15+$0x1830]  }
0x5c: {  	v23 =	vadd.f32 v23, v25;
	v25 =	vmax.f32 v42, $0.0e+00;
	v43 =	vld [tilespmem:s15+$0x1820];
	v36 =	vadd.f32 v36, v19  }
0x5d: {  	v3 =	vadd.f32 v25, v3;
	v25 =	vmax.f32 v31, $0.0e+00;
	v19 =	vld [tilespmem:s15+$0x1800];
	v31 =	vadd.f32 v27, v40  }
0x5e: {  	v27 =	vmax.f32 v35, $0.0e+00;
	v35 =	vadd.f32 v24, v23;
	v40 =	vadd.f32 v26, v36  }
0x5f: {  	v24 =	vmax.f32 v39, $0.0e+00;
	v23 =	vadd.f32 v25, v30;
	v21 =	vadd.f32 v27, v21;
	v42 =	vld [tilespmem:s15+$0x1810]  }
0x60: {  	v30 =	vmax.f32 v33, $0.0e+00;
	v39 =	vsub.f32 v8, v7;
	v25 =	vsub.f32 v8, v14  }
0x61: {  	v33 =	vadd.f32 v22, v23;
	v26 =	vsub.f32 v43, v9  }
0x62: {  	v23 =	vadd.f32 v37, v32;
	v32 =	vmax.f32 v5, $0.0e+00;
	v22 =	vsub.f32 v19, v9;
	v5 =	vmovc v25  }
0x63: {  	v34 =	vmax.f32 v34, $0.0e+00;
	v3 =	vadd.f32 v38, v3;
	v25 =	vsub.f32 v19, v6  }
0x64: {  	v36 =	vmax.f32 v45, $0.0e+00;
	v29 =	vadd.f32 v29, v23;
	v27 =	vsub.f32 v42, v13  }
0x65: {  	v20 =	vadd.f32 v36, v20;
	v37 =	vmax.f32 v25, $0.0e+00;
	v25 =	vsub.f32 v42, v9  }
0x66: {  	v16 =	vadd.f32 v16, v21;
	v36 =	vsub.f32 v42, v15;
	v44 =	vmax.f32 v27, $0.0e+00  }
0x67: {  	v21 =	vsub.f32 v19, v13;
	v23 =	vmax.f32 v22, $0.0e+00;
	v22 =	vsub.f32 v43, v14  }
0x68: {  	v38 =	vmax.f32 v11, $0.0e+00;
	v45 =	vadd.f32 v24, v16;
	v27 =	vsub.f32 v8, v17  }
0x69: {  	v20 =	vadd.f32 v28, v20;
	v16 =	vmax.f32 v36, $0.0e+00;
	v36 =	vsub.f32 v8, v13;
	v11 =	vmovc v22  }
0x6a: {  	v28 =	vsub.f32 v42, v7;
	v24 =	vmax.f32 v25, $0.0e+00;
	v25 =	vsub.f32 v8, v18  }
0x6b: {  	v47 =	vsub.f32 v43, v18;
	v46 =	vsub.f32 v42, v17;
	v22 =	vmax.f32 v36, $0.0e+00  }
0x6c: {  	v3 =	vadd.f32 v38, v3;
	v36 =	vmax.f32 v26, $0.0e+00;
	v26 =	vmax.f32 v27, $0.0e+00  }
0x6d: {  	v35 =	vadd.f32 v12, v35;
	v27 =	vmax.f32 v25, $0.0e+00;
	v25 =	vsub.f32 v8, v15;
	v12 =	vmovc v36  }
0x6e: {  	v20 =	vadd.f32 v34, v20;
	v34 =	vmax.f32 v41, $0.0e+00;
	v36 =	vsub.f32 v19, v17  }
0x6f: {  	v3 =	vadd.f32 v32, v3;
	v21 =	vmax.f32 v21, $0.0e+00;
	v41 =	vmax.f32 v25, $0.0e+00  }
0x70: {  	v48 =	vsub.f32 v43, v6;
	v32 =	vmax.f32 v36, $0.0e+00;
	v36 =	vsub.f32 v43, v17  }
0x71: {  	v21 =	vadd.f32 v21, v33;
	v25 =	vadd.f32 v30, v35  }
0x72: {  	v29 =	vadd.f32 v34, v29;
	v33 =	vsub.f32 v19, v18;
	v38 =	vmax.f32 v46, $0.0e+00  }
0x73: {  	v34 =	vmax.f32 v4, $0.0e+00;
	v4 =	vmovc v39;
	v30 =	vadd.f32 v44, v21;
	v21 =	vadd.f32 v10, v45;
	v10 =	vmovc v41  }
0x74: {  	v20 =	vadd.f32 v34, v20;
	v39 =	vmax.f32 v33, $0.0e+00;
	v40 =	vadd.f32 v32, v40  }
0x75: {  	v34 =	vsub.f32 v42, v18;
	v33 =	vsub.f32 v8, v9  }
.Ltmp2:
0x76: {  	v35 =	vsub.f32 v19, v15;
	v32 =	vadd.f32 v37, v29;
	v29 =	vmax.f32 v48, $0.0e+00;
	(pc) =	sbr.rel @p0 .LBB2_5-.Ltmp2, $4  }
0x77: {  	v44 =	vmax.f32 v34, $0.0e+00;
	v41 =	vsub.f32 v42, v14;
	v37 =	vsub.f32 v42, v6  }
0x78: {  	v28 =	vmax.f32 v28, $0.0e+00;
	v45 =	vadd.f32 v39, v31;
	v34 =	vsub.f32 v43, v7  }
0x79: {  	v39 =	vsub.f32 v43, v15;
	v31 =	vsub.f32 v43, v13;
	v37 =	vmax.f32 v37, $0.0e+00  }
0x7a: {  	v42 =	vsub.f32 v19, v14;
	v43 =	vadd.f32 v44, v45;
	v44 =	vmax.f32 v47, $0.0e+00  }
.LBB2_6:
0x7b: {  	v7 =	vsub.f32 v19, v7;
	v9 =	vadd.f32 v38, v40;
	v13 =	vmax.f32 v36, $0.0e+00  }
0x7c: {  	v6 =	vsub.f32 v8, v6;
	v57 =	vmax.f32 v31, $0.0e+00;
	v61 =	vadd.f32 v37, v32  }
0x7d: {  	v58 =	vmax.f32 v35, $0.0e+00;
	v15 =	vadd.f32 v44, v43;
	v56 =	vadd.f32 v23, v25  }
0x7e: {  	v17 =	vmax.f32 v42, $0.0e+00;
	v59 =	vadd.f32 v58, v21;
	v9 =	vadd.f32 v13, v9  }
0x7f: {  	v14 =	vmax.f32 v41, $0.0e+00;
	v3 =	vadd.f32 v17, v3;
	v13 =	vadd.f32 v57, v30  }
0x80: {  	v7 =	vmax.f32 v7, $0.0e+00;
	v31 =	vadd.f32 v27, v15;
	v8 =	vadd.f32 v24, v56  }
0x81: {  	v60 =	vmax.f32 v39, $0.0e+00;
	v7 =	vadd.f32 v7, v20;
	v35 =	vadd.f32 v26, v9  }
0x82: {  	v62 =	vmax.f32 v33, $0.0e+00;
	s13 =	sadd.s32 $0x1, s13;
	v30 =	vadd.f32 v22, v13;
	v3 =	vadd.f32 v14, v3  }
0x83: {  	v11 =	vmax.f32 v11, $0.0e+00;
	p0 =	sne.s32 s13, $0x10;
	v13 =	vadd.f32 v29, v61;
	v9 =	vadd.f32 v16, v59  }
.Ltmp3:
0x84: {  	v63 =	vmax.f32 v34, $0.0e+00;
	v7 =	vadd.f32 v28, v7;
	v8 =	vadd.f32 v12, v8;
	(pc) =	sbr.rel @p0 .LBB2_4-.Ltmp3, $4  }
0x85: {  	v6 =	vmax.f32 v6, $0.0e+00;
	v3 =	vadd.f32 v11, v3;
	v9 =	vadd.f32 v60, v9  }
0x86: {  	v5 =	vmax.f32 v5, $0.0e+00;
	v28 =	vadd.f32 v6, v13;
	v7 =	vadd.f32 v63, v7  }
0x87: {  	v4 =	vmax.f32 v4, $0.0e+00;
	v25 =	vadd.f32 v62, v8;
	v3 =	vadd.f32 v5, v3  }
0x88: {  	v21 =	vadd.f32 v10, v9;
	v20 =	vadd.f32 v4, v7  }
0x89: {  	v4 =	vadd.f32 v25, v28;
	_ =	sdelay $0x1  }
0x8a: {  	v4 =	vadd.f32 v31, v4;
	_ =	sdelay $0x1  }
0x8b: {  	v4 =	vadd.f32 v21, v4;
	_ =	sdelay $0x1  }
0x8c: {  	v4 =	vadd.f32 v20, v4;
	_ =	sdelay $0x1  }
0x8d: {  	v4 =	vadd.f32 v35, v4;
	_ =	sdelay $0x1  }
0x8e: {  	v4 =	vadd.f32 v30, v4  }
0x8f: {  	v1 =	vmul.f32 v2, v1  }
0x90: {  	v3 =	vadd.f32 v3, v4  }
0x91: {  	[tilespmem:$0x2080] =	vst v1  }
0x92: {  	[tilespmem:$0x2000] =	vst v3  }
0x93: {  	[hbm4b:s5+s2] =	stream.linear.scatter [tilespmem:s10], [sflag:$0x1], $0x10, $0x38;
	[tilespmem:$0x2100] =	vst v63  }
0x94: {  	s12 =	sadd.s32 $0x1, s12;
	_ =	swait.ge [sflag:s8], $0x10  }
0x95: {  	p0 =	sne.s32 s12, s7;
	[sflag:s8] =	ssyncset.done $0x0  }
.Ltmp4:
0x96: {  	[sflag:s8] =	ssyncadd.s32 $0xFFFFFFF0;
	(pc) =	sbr.rel @p0 .LBB2_1-.Ltmp4, $4  }
0x97: {  	[hbm4b:s6+s2] =	stream.linear.scatter [tilespmem:s11], [sflag:$0x1], $0x10, $0x38;
	[tilespmem:$0x2100] =	vst v63  }
0x98: {  	_ =	swait.ge [sflag:s8], $0x10  }
0x99: {  	[sflag:s8] =	ssyncset.done $0x0  }
0x9a: {  	[sflag:s8] =	ssyncadd.s32 $0xFFFFFFF0  }
0x9b: {  	_ =	sfence.sel $0x180000  }
0x9c: {  	[bflag:$0x0] =	sbarrier.arrive $0xFFFF  }
0x9d: {  	p0 =	sne.s32 s1, $0x0;
	_ =	strace $0x90000047  }
0x9e: {  	s0 =	sadd.s32 @!p0 $0x100000, s0;
	[bflag:$0x2] =	sbarrier.arrive $0xFFFF  }
0x9f: {  	[sflag:s0] =	ssyncadd.tile.s32 @!p0 $0x1;
	_ =	shalt  }
.Lfunc_end2:
_tile_overlayer_lowered:
.L_overlay_start_2:
0xa0: {  	(tag) =	ssettag $0x2  }
0xa1: {  	s0 =	rddreg [dreg:$0x0];
	s2 =	stileid.u32  }
0xa2: {  	s1 =	rddreg [dreg:$0x1];
	p0 =	sne.s32 s2, $0x0  }
0xa3: {  	s3 =	rddreg [dreg:$0x2];
	[bflag:$0x3] =	sbarrier.arrive $0xFFFF;
	s2 =	simm.s32 @!p0 $0x1C01  }
0xa4: {  	[timem:s3], [sflag:s2] =	dma.local @!p0 [hbm:s0], s1  }
0xa5: {  	s0 =	simm.s32 @!p0 $0x1  }
0xa6: {  	_ =	swait.ge @!p0 [sflag:s0], s1  }
0xa7: {  	s1 =	ssub.s32 @!p0 $0x0, s1;
	[sflag:s0] =	ssyncset.done @!p0 $0x0  }
0xa8: {  	[sflag:s0] =	ssyncadd.s32 @!p0 s1  }
0xa9: {  	[bflag:$0x3] =	sbarrier.arrive $0xFFFF  }
0xaa: {  	_ =	shalt  }

</sc_bundles>
